<compile_context>
chip_gen: v7x
topology: tpu7x:2x2x1
jax: 0.10.2.dev20260603
libtpu: 0.0.44.dev20260713+nightly
codegen_flags: <defaults>
</compile_context>

<pallas_src>
import functools

import jax
import jax.numpy as jnp
from jax import lax
from jax.experimental import pallas as pl
from jax.experimental.pallas import tpu as pltpu
from jax.experimental.pallas import tpu_sc as plsc

EMB_DIM = 32
BATCH = 16384
NF = 26

NC = 2
NS = 16
NW = NC * NS

CHUNK = 1024
NBLK = BATCH // CHUNK
N_UNITS = NF * NBLK
UPW = N_UNITS // NW


@jax.jit
def _gather_rows(idx, table):
    mesh = plsc.VectorSubcoreMesh(core_axis_name="c", subcore_axis_name="s")

    @functools.partial(
        pl.kernel,
        out_type=jax.ShapeDtypeStruct((NF, BATCH, EMB_DIM), jnp.float32),
        mesh=mesh,
        scratch_types=[
            pltpu.VMEM((UPW * CHUNK,), jnp.int32),
            pltpu.VMEM((CHUNK, EMB_DIM), jnp.float32),
            pltpu.VMEM((CHUNK, EMB_DIM), jnp.float32),
            pltpu.SemaphoreType.DMA,
            pltpu.SemaphoreType.DMA,
            pltpu.SemaphoreType.DMA,
            pltpu.SemaphoreType.DMA,
        ],
        compiler_params=pltpu.CompilerParams(use_tc_tiling_on_sc=False),
    )
    def k(idx_hbm, table_hbm, out_hbm, idx_v, rows0, rows1, g0, g1, o0, o1):
        wid = lax.axis_index("s") * NC + lax.axis_index("c")
        u0 = wid * UPW
        pltpu.sync_copy(idx_hbm.at[pl.ds(u0 * CHUNK, UPW * CHUNK)], idx_v)

        bufs = [(rows0, g0, o0), (rows1, g1, o1)]

        def gather(j):
            rows, gsem, _ = bufs[j % 2]
            return pltpu.async_copy(
                table_hbm.at[idx_v.at[pl.ds(j * CHUNK, CHUNK)]], rows, gsem
            )

        def writeback(j):
            rows, _, osem = bufs[j % 2]
            u = u0 + j
            f = u // NBLK
            b0 = (u % NBLK) * CHUNK
            return pltpu.async_copy(
                rows, out_hbm.at[f, pl.ds(b0, CHUNK)], osem
            )

        g_desc = {0: gather(0)}
        o_desc = {}
        for j in range(UPW):
            if j + 1 < UPW:
                if j >= 1:
                    o_desc[j - 1].wait()
                g_desc[j + 1] = gather(j + 1)
            g_desc[j].wait()
            o_desc[j] = writeback(j)
        o_desc[UPW - 2].wait()
        o_desc[UPW - 1].wait()

    return k(idx, table)


def kernel(cond_ids, emb_weight):
    idx = cond_ids.astype(jnp.int32).T.reshape(BATCH * NF) * 4
    table_p = jnp.pad(emb_weight, ((0, 0), (0, 96))).reshape(4000000, EMB_DIM)
    out = _gather_rows(idx, table_p)
    return out.transpose(1, 0, 2)

# --- scband reference (transcript-rebuilt; emitter-appended) ---
"""Pipeline reference for scband-condition-encoder-36687610642564 (READ-ONLY COPY).

The authoritative reference and input builder live on the scoring server;
editing this copy changes nothing except your own understanding.
"""

import jax, jax.numpy as jnp
import numpy as np

NUM_BUCKETS = 1000000
EMB_DIM = 32
BATCH = 16384
N_FIELDS = 26

def setup_inputs(seed: int = 0) -> dict:
    key = jax.random.key(seed)
    k1, k2 = jax.random.split(key)
    cond_ids = jax.random.randint(k1, (BATCH, N_FIELDS), 0, NUM_BUCKETS, dtype=jnp.int64 if jax.config.jax_enable_x64 else jnp.int32)
    emb_weight = jax.random.normal(k2, (NUM_BUCKETS, EMB_DIM), dtype=jnp.float32)
    return {"cond_ids": cond_ids, "emb_weight": emb_weight}

def reference(cond_ids, emb_weight):
    # nn.Embedding forward: gather rows of the table by index
    return jnp.take(emb_weight, cond_ids, axis=0)

if __name__ == "__main__":
    import jax
    _d = setup_inputs()
    print(jax.jit(kernel)(*tuple(_d.values())))

</pallas_src>

<mosaic_0001>
#map = affine_map<(d0, d1) -> (0)>
#map1 = affine_map<(d0, d1) -> (0, 0)>
#map2 = affine_map<(d0, d1) -> (0, 0, 0)>
module attributes {stable_mosaic.version = 14 : i64} {
  func.func @k(%arg0: i32, %arg1: i32, %arg2: memref<425984xi32, #tpu.memory_space<hbm>>, %arg3: memref<4000000x32xf32, #tpu.memory_space<hbm>>, %arg4: memref<26x16384x32xf32, #tpu.memory_space<hbm>>, %arg5: memref<13312xi32, #tpu.memory_space<vmem>>, %arg6: memref<1024x32xf32, #tpu.memory_space<vmem>>, %arg7: memref<1024x32xf32, #tpu.memory_space<vmem>>, %arg8: memref<!tpu.dma_semaphore, #tpu.memory_space<semaphore_mem>>, %arg9: memref<!tpu.dma_semaphore, #tpu.memory_space<semaphore_mem>>, %arg10: memref<!tpu.dma_semaphore, #tpu.memory_space<semaphore_mem>>, %arg11: memref<!tpu.dma_semaphore, #tpu.memory_space<semaphore_mem>>) attributes {dimension_semantics = [#tpu.dimension_semantics<core_parallel>, #tpu.dimension_semantics<subcore_parallel>], iteration_bounds = array<i64: 2, 16>, scalar_prefetch = 0 : i64, scratch_operands = 7 : i64, tpu.core_type = #tpu.core_type<sc_vector_subcore>, window_params = [{transform_indices = #map}, {transform_indices = #map1}, {transform_indices = #map2}]} {
    %mul3A = arith.constant 2 : i32
    %mul3A_0 = arith.muli %arg1, %mul3A : i32
    %add3A = arith.addi %mul3A_0, %arg0 : i32
    %mul3A_1 = arith.constant 13 : i32
    %mul3A_2 = arith.muli %add3A, %mul3A_1 : i32
    %mul3A_3 = arith.constant 1024 : i32
    %mul3A_4 = arith.muli %mul3A_2, %mul3A_3 : i32
    "tpu.region"() ({
      %run_scoped3A = tpu.sem_alloc : memref<!tpu.dma_semaphore, #tpu.memory_space<semaphore_mem>>
      %dma_start3A_851 = tpu.memref_slice %arg2[%mul3A_4] : memref<425984xi32, #tpu.memory_space<hbm>> -> memref<13312xi32, #tpu.memory_space<hbm>>
      %dma_start3A_852 = tpu.memref_slice %arg2[%mul3A_4] : memref<425984xi32, #tpu.memory_space<hbm>> -> memref<13312xi32, #tpu.memory_space<hbm>>
      tpu.enqueue_dma source(%dma_start3A_852 : memref<13312xi32, #tpu.memory_space<hbm>>) target(%arg5 : memref<13312xi32, #tpu.memory_space<vmem>>) target_semaphore(%run_scoped3A : memref<!tpu.dma_semaphore, #tpu.memory_space<semaphore_mem>>)
      %dma_wait3A_853 = tpu.memref_slice %arg2[%mul3A_4] : memref<425984xi32, #tpu.memory_space<hbm>> -> memref<13312xi32, #tpu.memory_space<hbm>>
      %dma_wait3A_854 = tpu.memref_slice %arg2[%mul3A_4] : memref<425984xi32, #tpu.memory_space<hbm>> -> memref<13312xi32, #tpu.memory_space<hbm>>
      tpu.wait_dma2 semaphore(%run_scoped3A : memref<!tpu.dma_semaphore, #tpu.memory_space<semaphore_mem>>) src(%dma_wait3A_854 : memref<13312xi32, #tpu.memory_space<hbm>>) dst(%arg5 : memref<13312xi32, #tpu.memory_space<vmem>>)
      tpu.yield
    }) : () -> ()
    %dma_start3A = arith.constant 0 : i32
    %dma_start3A_5 = tpu.memref_slice %arg5[%dma_start3A] : memref<13312xi32, #tpu.memory_space<vmem>> -> memref<1024xi32, #tpu.memory_space<vmem>>
    %dma_start3A_6 = arith.constant 0 : i32
    %dma_start3A_7 = arith.constant 0 : i32
    %dma_start3A_8 = tpu.memref_slice %arg3[%dma_start3A_6, %dma_start3A_7] : memref<4000000x32xf32, #tpu.memory_space<hbm>> -> memref<4000000x32xf32, #tpu.memory_space<hbm>>
    tpu.enqueue_indirect_dma source(%dma_start3A_8 : memref<4000000x32xf32, #tpu.memory_space<hbm>>) target(%arg6 : memref<1024x32xf32, #tpu.memory_space<vmem>>) offsets(%dma_start3A_5 : memref<1024xi32, #tpu.memory_space<vmem>>) semaphore(%arg8 : memref<!tpu.dma_semaphore, #tpu.memory_space<semaphore_mem>>)
    %dma_start3A_9 = arith.constant 1024 : i32
    %dma_start3A_10 = tpu.memref_slice %arg5[%dma_start3A_9] : memref<13312xi32, #tpu.memory_space<vmem>> -> memref<1024xi32, #tpu.memory_space<vmem>>
    %dma_start3A_11 = arith.constant 0 : i32
    %dma_start3A_12 = arith.constant 0 : i32
    %dma_start3A_13 = tpu.memref_slice %arg3[%dma_start3A_11, %dma_start3A_12] : memref<4000000x32xf32, #tpu.memory_space<hbm>> -> memref<4000000x32xf32, #tpu.memory_space<hbm>>
    tpu.enqueue_indirect_dma source(%dma_start3A_13 : memref<4000000x32xf32, #tpu.memory_space<hbm>>) target(%arg7 : memref<1024x32xf32, #tpu.memory_space<vmem>>) offsets(%dma_start3A_10 : memref<1024xi32, #tpu.memory_space<vmem>>) semaphore(%arg9 : memref<!tpu.dma_semaphore, #tpu.memory_space<semaphore_mem>>)
    %dma_wait3A = arith.constant 0 : i32
    %dma_wait3A_14 = tpu.memref_slice %arg5[%dma_wait3A] : memref<13312xi32, #tpu.memory_space<vmem>> -> memref<1024xi32, #tpu.memory_space<vmem>>
    %dma_wait3A_15 = arith.constant 0 : i32
    %dma_wait3A_16 = arith.constant 0 : i32
    %dma_wait3A_17 = tpu.memref_slice %arg3[%dma_wait3A_15, %dma_wait3A_16] : memref<4000000x32xf32, #tpu.memory_space<hbm>> -> memref<4000000x32xf32, #tpu.memory_space<hbm>>
    tpu.wait_indirect_dma semaphore(%arg8 : memref<!tpu.dma_semaphore, #tpu.memory_space<semaphore_mem>>) src(%dma_wait3A_17 : memref<4000000x32xf32, #tpu.memory_space<hbm>>) dst(%arg6 : memref<1024x32xf32, #tpu.memory_space<vmem>>)
    %add3A_18 = arith.constant 0 : i32
    %add3A_19 = arith.addi %mul3A_2, %add3A_18 : i32
    %jit3A = arith.constant 16 : i32
    %div3A = arith.divsi %add3A_19, %jit3A : i32
    %sign3A = arith.constant 0 : i32
    %sign3A_20 = arith.cmpi sgt, %add3A_19, %sign3A : i32
    %sign3A_21 = arith.extui %sign3A_20 : i1 to i32
    %sign3A_22 = arith.constant 0 : i32
    %sign3A_23 = arith.cmpi slt, %add3A_19, %sign3A_22 : i32
    %sign3A_24 = arith.extui %sign3A_23 : i1 to i32
    %sign3A_25 = arith.subi %sign3A_21, %sign3A_24 : i32
    %sign3A_26 = arith.constant 0 : i32
    %sign3A_27 = arith.cmpi sgt, %jit3A, %sign3A_26 : i32
    %sign3A_28 = arith.extui %sign3A_27 : i1 to i32
    %sign3A_29 = arith.constant 0 : i32
    %sign3A_30 = arith.cmpi slt, %jit3A, %sign3A_29 : i32
    %sign3A_31 = arith.extui %sign3A_30 : i1 to i32
    %sign3A_32 = arith.subi %sign3A_28, %sign3A_31 : i32
    %ne3A = arith.cmpi ne, %sign3A_25, %sign3A_32 : i32
    %rem3A = arith.remsi %add3A_19, %jit3A : i32
    %ne3A_33 = arith.constant 0 : i32
    %ne3A_34 = arith.cmpi ne, %rem3A, %ne3A_33 : i32
    %and3A = arith.andi %ne3A, %ne3A_34 : i1
    %sub3A = arith.constant 1 : i32
    %sub3A_35 = arith.subi %div3A, %sub3A : i32
    %select_n3A = arith.select %and3A, %sub3A_35, %div3A : i32
    %jit3A_36 = arith.constant 16 : i32
    %eq3A = arith.constant 0 : i32
    %eq3A_37 = arith.cmpi eq, %jit3A_36, %eq3A : i32
    %jit3A_38 = arith.constant 1 : i32
    %select_n3A_39 = arith.select %eq3A_37, %jit3A_38, %jit3A_36 : i32
    %rem3A_40 = arith.remsi %add3A_19, %select_n3A_39 : i32
    %ne3A_41 = arith.constant 0 : i32
    %ne3A_42 = arith.cmpi ne, %rem3A_40, %ne3A_41 : i32
    %lt3A = arith.constant 0 : i32
    %lt3A_43 = arith.cmpi slt, %rem3A_40, %lt3A : i32
    %lt3A_44 = arith.constant 0 : i32
    %lt3A_45 = arith.cmpi slt, %select_n3A_39, %lt3A_44 : i32
    %ne3A_46 = arith.xori %lt3A_43, %lt3A_45 : i1
    %and3A_47 = arith.andi %ne3A_46, %ne3A_42 : i1
    %add3A_48 = arith.addi %rem3A_40, %select_n3A_39 : i32
    %select_n3A_49 = arith.select %and3A_47, %add3A_48, %rem3A_40 : i32
    %mul3A_50 = arith.constant 1024 : i32
    %mul3A_51 = arith.muli %select_n3A_49, %mul3A_50 : i32
    %dma_start3A_52 = arith.constant 0 : i32
    %dma_start3A_53 = tpu.memref_slice %arg4[%select_n3A, %mul3A_51, %dma_start3A_52] : memref<26x16384x32xf32, #tpu.memory_space<hbm>> -> memref<1x1024x32xf32, #tpu.memory_space<hbm>>
    %dma_start3A_54 = tpu.memref_squeeze %dma_start3A_53 : memref<1x1024x32xf32, #tpu.memory_space<hbm>> -> memref<1024x32xf32, #tpu.memory_space<hbm>>
    %dma_start3A_55 = arith.constant 0 : i32
    %dma_start3A_56 = tpu.memref_slice %arg4[%select_n3A, %mul3A_51, %dma_start3A_55] : memref<26x16384x32xf32, #tpu.memory_space<hbm>> -> memref<1x1024x32xf32, #tpu.memory_space<hbm>>
    %dma_start3A_57 = tpu.memref_squeeze %dma_start3A_56 : memref<1x1024x32xf32, #tpu.memory_space<hbm>> -> memref<1024x32xf32, #tpu.memory_space<hbm>>
    tpu.enqueue_dma source(%arg6 : memref<1024x32xf32, #tpu.memory_space<vmem>>) target(%dma_start3A_57 : memref<1024x32xf32, #tpu.memory_space<hbm>>) target_semaphore(%arg10 : memref<!tpu.dma_semaphore, #tpu.memory_space<semaphore_mem>>)
    %dma_wait3A_58 = arith.constant 0 : i32
    %dma_wait3A_59 = tpu.memref_slice %arg4[%select_n3A, %mul3A_51, %dma_wait3A_58] : memref<26x16384x32xf32, #tpu.memory_space<hbm>> -> memref<1x1024x32xf32, #tpu.memory_space<hbm>>
    %dma_wait3A_60 = tpu.memref_squeeze %dma_wait3A_59 : memref<1x1024x32xf32, #tpu.memory_space<hbm>> -> memref<1024x32xf32, #tpu.memory_space<hbm>>
    %dma_wait3A_61 = arith.constant 0 : i32
    %dma_wait3A_62 = tpu.memref_slice %arg4[%select_n3A, %mul3A_51, %dma_wait3A_61] : memref<26x16384x32xf32, #tpu.memory_space<hbm>> -> memref<1x1024x32xf32, #tpu.memory_space<hbm>>
    %dma_wait3A_63 = tpu.memref_squeeze %dma_wait3A_62 : memref<1x1024x32xf32, #tpu.memory_space<hbm>> -> memref<1024x32xf32, #tpu.memory_space<hbm>>
    tpu.wait_dma2 semaphore(%arg10 : memref<!tpu.dma_semaphore, #tpu.memory_space<semaphore_mem>>) src(%arg6 : memref<1024x32xf32, #tpu.memory_space<vmem>>) dst(%dma_wait3A_63 : memref<1024x32xf32, #tpu.memory_space<hbm>>)
    %dma_start3A_64 = arith.constant 2048 : i32
    %dma_start3A_65 = tpu.memref_slice %arg5[%dma_start3A_64] : memref<13312xi32, #tpu.memory_space<vmem>> -> memref<1024xi32, #tpu.memory_space<vmem>>
    %dma_start3A_66 = arith.constant 0 : i32
    %dma_start3A_67 = arith.constant 0 : i32
    %dma_start3A_68 = tpu.memref_slice %arg3[%dma_start3A_66, %dma_start3A_67] : memref<4000000x32xf32, #tpu.memory_space<hbm>> -> memref<4000000x32xf32, #tpu.memory_space<hbm>>
    tpu.enqueue_indirect_dma source(%dma_start3A_68 : memref<4000000x32xf32, #tpu.memory_space<hbm>>) target(%arg6 : memref<1024x32xf32, #tpu.memory_space<vmem>>) offsets(%dma_start3A_65 : memref<1024xi32, #tpu.memory_space<vmem>>) semaphore(%arg8 : memref<!tpu.dma_semaphore, #tpu.memory_space<semaphore_mem>>)
    %dma_wait3A_69 = arith.constant 1024 : i32
    %dma_wait3A_70 = tpu.memref_slice %arg5[%dma_wait3A_69] : memref<13312xi32, #tpu.memory_space<vmem>> -> memref<1024xi32, #tpu.memory_space<vmem>>
    %dma_wait3A_71 = arith.constant 0 : i32
    %dma_wait3A_72 = arith.constant 0 : i32
    %dma_wait3A_73 = tpu.memref_slice %arg3[%dma_wait3A_71, %dma_wait3A_72] : memref<4000000x32xf32, #tpu.memory_space<hbm>> -> memref<4000000x32xf32, #tpu.memory_space<hbm>>
    tpu.wait_indirect_dma semaphore(%arg9 : memref<!tpu.dma_semaphore, #tpu.memory_space<semaphore_mem>>) src(%dma_wait3A_73 : memref<4000000x32xf32, #tpu.memory_space<hbm>>) dst(%arg7 : memref<1024x32xf32, #tpu.memory_space<vmem>>)
    %add3A_74 = arith.constant 1 : i32
    %add3A_75 = arith.addi %mul3A_2, %add3A_74 : i32
    %jit3A_76 = arith.constant 16 : i32
    %div3A_77 = arith.divsi %add3A_75, %jit3A_76 : i32
    %sign3A_78 = arith.constant 0 : i32
    %sign3A_79 = arith.cmpi sgt, %add3A_75, %sign3A_78 : i32
    %sign3A_80 = arith.extui %sign3A_79 : i1 to i32
    %sign3A_81 = arith.constant 0 : i32
    %sign3A_82 = arith.cmpi slt, %add3A_75, %sign3A_81 : i32
    %sign3A_83 = arith.extui %sign3A_82 : i1 to i32
    %sign3A_84 = arith.subi %sign3A_80, %sign3A_83 : i32
    %sign3A_85 = arith.constant 0 : i32
    %sign3A_86 = arith.cmpi sgt, %jit3A_76, %sign3A_85 : i32
    %sign3A_87 = arith.extui %sign3A_86 : i1 to i32
    %sign3A_88 = arith.constant 0 : i32
    %sign3A_89 = arith.cmpi slt, %jit3A_76, %sign3A_88 : i32
    %sign3A_90 = arith.extui %sign3A_89 : i1 to i32
    %sign3A_91 = arith.subi %sign3A_87, %sign3A_90 : i32
    %ne3A_92 = arith.cmpi ne, %sign3A_84, %sign3A_91 : i32
    %rem3A_93 = arith.remsi %add3A_75, %jit3A_76 : i32
    %ne3A_94 = arith.constant 0 : i32
    %ne3A_95 = arith.cmpi ne, %rem3A_93, %ne3A_94 : i32
    %and3A_96 = arith.andi %ne3A_92, %ne3A_95 : i1
    %sub3A_97 = arith.constant 1 : i32
    %sub3A_98 = arith.subi %div3A_77, %sub3A_97 : i32
    %select_n3A_99 = arith.select %and3A_96, %sub3A_98, %div3A_77 : i32
    %jit3A_100 = arith.constant 16 : i32
    %eq3A_101 = arith.constant 0 : i32
    %eq3A_102 = arith.cmpi eq, %jit3A_100, %eq3A_101 : i32
    %jit3A_103 = arith.constant 1 : i32
    %select_n3A_104 = arith.select %eq3A_102, %jit3A_103, %jit3A_100 : i32
    %rem3A_105 = arith.remsi %add3A_75, %select_n3A_104 : i32
    %ne3A_106 = arith.constant 0 : i32
    %ne3A_107 = arith.cmpi ne, %rem3A_105, %ne3A_106 : i32
    %lt3A_108 = arith.constant 0 : i32
    %lt3A_109 = arith.cmpi slt, %rem3A_105, %lt3A_108 : i32
    %lt3A_110 = arith.constant 0 : i32
    %lt3A_111 = arith.cmpi slt, %select_n3A_104, %lt3A_110 : i32
    %ne3A_112 = arith.xori %lt3A_109, %lt3A_111 : i1
    %and3A_113 = arith.andi %ne3A_112, %ne3A_107 : i1
    %add3A_114 = arith.addi %rem3A_105, %select_n3A_104 : i32
    %select_n3A_115 = arith.select %and3A_113, %add3A_114, %rem3A_105 : i32
    %mul3A_116 = arith.constant 1024 : i32
    %mul3A_117 = arith.muli %select_n3A_115, %mul3A_116 : i32
    %dma_start3A_118 = arith.constant 0 : i32
    %dma_start3A_119 = tpu.memref_slice %arg4[%select_n3A_99, %mul3A_117, %dma_start3A_118] : memref<26x16384x32xf32, #tpu.memory_space<hbm>> -> memref<1x1024x32xf32, #tpu.memory_space<hbm>>
    %dma_start3A_120 = tpu.memref_squeeze %dma_start3A_119 : memref<1x1024x32xf32, #tpu.memory_space<hbm>> -> memref<1024x32xf32, #tpu.memory_space<hbm>>
    %dma_start3A_121 = arith.constant 0 : i32
    %dma_start3A_122 = tpu.memref_slice %arg4[%select_n3A_99, %mul3A_117, %dma_start3A_121] : memref<26x16384x32xf32, #tpu.memory_space<hbm>> -> memref<1x1024x32xf32, #tpu.memory_space<hbm>>
    %dma_start3A_123 = tpu.memref_squeeze %dma_start3A_122 : memref<1x1024x32xf32, #tpu.memory_space<hbm>> -> memref<1024x32xf32, #tpu.memory_space<hbm>>
    tpu.enqueue_dma source(%arg7 : memref<1024x32xf32, #tpu.memory_space<vmem>>) target(%dma_start3A_123 : memref<1024x32xf32, #tpu.memory_space<hbm>>) target_semaphore(%arg11 : memref<!tpu.dma_semaphore, #tpu.memory_space<semaphore_mem>>)
    %dma_wait3A_124 = arith.constant 0 : i32
    %dma_wait3A_125 = tpu.memref_slice %arg4[%select_n3A_99, %mul3A_117, %dma_wait3A_124] : memref<26x16384x32xf32, #tpu.memory_space<hbm>> -> memref<1x1024x32xf32, #tpu.memory_space<hbm>>
    %dma_wait3A_126 = tpu.memref_squeeze %dma_wait3A_125 : memref<1x1024x32xf32, #tpu.memory_space<hbm>> -> memref<1024x32xf32, #tpu.memory_space<hbm>>
    %dma_wait3A_127 = arith.constant 0 : i32
    %dma_wait3A_128 = tpu.memref_slice %arg4[%select_n3A_99, %mul3A_117, %dma_wait3A_127] : memref<26x16384x32xf32, #tpu.memory_space<hbm>> -> memref<1x1024x32xf32, #tpu.memory_space<hbm>>
    %dma_wait3A_129 = tpu.memref_squeeze %dma_wait3A_128 : memref<1x1024x32xf32, #tpu.memory_space<hbm>> -> memref<1024x32xf32, #tpu.memory_space<hbm>>
    tpu.wait_dma2 semaphore(%arg11 : memref<!tpu.dma_semaphore, #tpu.memory_space<semaphore_mem>>) src(%arg7 : memref<1024x32xf32, #tpu.memory_space<vmem>>) dst(%dma_wait3A_129 : memref<1024x32xf32, #tpu.memory_space<hbm>>)
    %dma_start3A_130 = arith.constant 3072 : i32
    %dma_start3A_131 = tpu.memref_slice %arg5[%dma_start3A_130] : memref<13312xi32, #tpu.memory_space<vmem>> -> memref<1024xi32, #tpu.memory_space<vmem>>
    %dma_start3A_132 = arith.constant 0 : i32
    %dma_start3A_133 = arith.constant 0 : i32
    %dma_start3A_134 = tpu.memref_slice %arg3[%dma_start3A_132, %dma_start3A_133] : memref<4000000x32xf32, #tpu.memory_space<hbm>> -> memref<4000000x32xf32, #tpu.memory_space<hbm>>
    tpu.enqueue_indirect_dma source(%dma_start3A_134 : memref<4000000x32xf32, #tpu.memory_space<hbm>>) target(%arg7 : memref<1024x32xf32, #tpu.memory_space<vmem>>) offsets(%dma_start3A_131 : memref<1024xi32, #tpu.memory_space<vmem>>) semaphore(%arg9 : memref<!tpu.dma_semaphore, #tpu.memory_space<semaphore_mem>>)
    %dma_wait3A_135 = arith.constant 2048 : i32
    %dma_wait3A_136 = tpu.memref_slice %arg5[%dma_wait3A_135] : memref<13312xi32, #tpu.memory_space<vmem>> -> memref<1024xi32, #tpu.memory_space<vmem>>
    %dma_wait3A_137 = arith.constant 0 : i32
    %dma_wait3A_138 = arith.constant 0 : i32
    %dma_wait3A_139 = tpu.memref_slice %arg3[%dma_wait3A_137, %dma_wait3A_138] : memref<4000000x32xf32, #tpu.memory_space<hbm>> -> memref<4000000x32xf32, #tpu.memory_space<hbm>>
    tpu.wait_indirect_dma semaphore(%arg8 : memref<!tpu.dma_semaphore, #tpu.memory_space<semaphore_mem>>) src(%dma_wait3A_139 : memref<4000000x32xf32, #tpu.memory_space<hbm>>) dst(%arg6 : memref<1024x32xf32, #tpu.memory_space<vmem>>)
    %add3A_140 = arith.constant 2 : i32
    %add3A_141 = arith.addi %mul3A_2, %add3A_140 : i32
    %jit3A_142 = arith.constant 16 : i32
    %div3A_143 = arith.divsi %add3A_141, %jit3A_142 : i32
    %sign3A_144 = arith.constant 0 : i32
    %sign3A_145 = arith.cmpi sgt, %add3A_141, %sign3A_144 : i32
    %sign3A_146 = arith.extui %sign3A_145 : i1 to i32
    %sign3A_147 = arith.constant 0 : i32
    %sign3A_148 = arith.cmpi slt, %add3A_141, %sign3A_147 : i32
    %sign3A_149 = arith.extui %sign3A_148 : i1 to i32
    %sign3A_150 = arith.subi %sign3A_146, %sign3A_149 : i32
    %sign3A_151 = arith.constant 0 : i32
    %sign3A_152 = arith.cmpi sgt, %jit3A_142, %sign3A_151 : i32
    %sign3A_153 = arith.extui %sign3A_152 : i1 to i32
    %sign3A_154 = arith.constant 0 : i32
    %sign3A_155 = arith.cmpi slt, %jit3A_142, %sign3A_154 : i32
    %sign3A_156 = arith.extui %sign3A_155 : i1 to i32
    %sign3A_157 = arith.subi %sign3A_153, %sign3A_156 : i32
    %ne3A_158 = arith.cmpi ne, %sign3A_150, %sign3A_157 : i32
    %rem3A_159 = arith.remsi %add3A_141, %jit3A_142 : i32
    %ne3A_160 = arith.constant 0 : i32
    %ne3A_161 = arith.cmpi ne, %rem3A_159, %ne3A_160 : i32
    %and3A_162 = arith.andi %ne3A_158, %ne3A_161 : i1
    %sub3A_163 = arith.constant 1 : i32
    %sub3A_164 = arith.subi %div3A_143, %sub3A_163 : i32
    %select_n3A_165 = arith.select %and3A_162, %sub3A_164, %div3A_143 : i32
    %jit3A_166 = arith.constant 16 : i32
    %eq3A_167 = arith.constant 0 : i32
    %eq3A_168 = arith.cmpi eq, %jit3A_166, %eq3A_167 : i32
    %jit3A_169 = arith.constant 1 : i32
    %select_n3A_170 = arith.select %eq3A_168, %jit3A_169, %jit3A_166 : i32
    %rem3A_171 = arith.remsi %add3A_141, %select_n3A_170 : i32
    %ne3A_172 = arith.constant 0 : i32
    %ne3A_173 = arith.cmpi ne, %rem3A_171, %ne3A_172 : i32
    %lt3A_174 = arith.constant 0 : i32
    %lt3A_175 = arith.cmpi slt, %rem3A_171, %lt3A_174 : i32
    %lt3A_176 = arith.constant 0 : i32
    %lt3A_177 = arith.cmpi slt, %select_n3A_170, %lt3A_176 : i32
    %ne3A_178 = arith.xori %lt3A_175, %lt3A_177 : i1
    %and3A_179 = arith.andi %ne3A_178, %ne3A_173 : i1
    %add3A_180 = arith.addi %rem3A_171, %select_n3A_170 : i32
    %select_n3A_181 = arith.select %and3A_179, %add3A_180, %rem3A_171 : i32
    %mul3A_182 = arith.constant 1024 : i32
    %mul3A_183 = arith.muli %select_n3A_181, %mul3A_182 : i32
    %dma_start3A_184 = arith.constant 0 : i32
    %dma_start3A_185 = tpu.memref_slice %arg4[%select_n3A_165, %mul3A_183, %dma_start3A_184] : memref<26x16384x32xf32, #tpu.memory_space<hbm>> -> memref<1x1024x32xf32, #tpu.memory_space<hbm>>
    %dma_start3A_186 = tpu.memref_squeeze %dma_start3A_185 : memref<1x1024x32xf32, #tpu.memory_space<hbm>> -> memref<1024x32xf32, #tpu.memory_space<hbm>>
    %dma_start3A_187 = arith.constant 0 : i32
    %dma_start3A_188 = tpu.memref_slice %arg4[%select_n3A_165, %mul3A_183, %dma_start3A_187] : memref<26x16384x32xf32, #tpu.memory_space<hbm>> -> memref<1x1024x32xf32, #tpu.memory_space<hbm>>
    %dma_start3A_189 = tpu.memref_squeeze %dma_start3A_188 : memref<1x1024x32xf32, #tpu.memory_space<hbm>> -> memref<1024x32xf32, #tpu.memory_space<hbm>>
    tpu.enqueue_dma source(%arg6 : memref<1024x32xf32, #tpu.memory_space<vmem>>) target(%dma_start3A_189 : memref<1024x32xf32, #tpu.memory_space<hbm>>) target_semaphore(%arg10 : memref<!tpu.dma_semaphore, #tpu.memory_space<semaphore_mem>>)
    %dma_wait3A_190 = arith.constant 0 : i32
    %dma_wait3A_191 = tpu.memref_slice %arg4[%select_n3A_165, %mul3A_183, %dma_wait3A_190] : memref<26x16384x32xf32, #tpu.memory_space<hbm>> -> memref<1x1024x32xf32, #tpu.memory_space<hbm>>
    %dma_wait3A_192 = tpu.memref_squeeze %dma_wait3A_191 : memref<1x1024x32xf32, #tpu.memory_space<hbm>> -> memref<1024x32xf32, #tpu.memory_space<hbm>>
    %dma_wait3A_193 = arith.constant 0 : i32
    %dma_wait3A_194 = tpu.memref_slice %arg4[%select_n3A_165, %mul3A_183, %dma_wait3A_193] : memref<26x16384x32xf32, #tpu.memory_space<hbm>> -> memref<1x1024x32xf32, #tpu.memory_space<hbm>>
    %dma_wait3A_195 = tpu.memref_squeeze %dma_wait3A_194 : memref<1x1024x32xf32, #tpu.memory_space<hbm>> -> memref<1024x32xf32, #tpu.memory_space<hbm>>
    tpu.wait_dma2 semaphore(%arg10 : memref<!tpu.dma_semaphore, #tpu.memory_space<semaphore_mem>>) src(%arg6 : memref<1024x32xf32, #tpu.memory_space<vmem>>) dst(%dma_wait3A_195 : memref<1024x32xf32, #tpu.memory_space<hbm>>)
    %dma_start3A_196 = arith.constant 4096 : i32
    %dma_start3A_197 = tpu.memref_slice %arg5[%dma_start3A_196] : memref<13312xi32, #tpu.memory_space<vmem>> -> memref<1024xi32, #tpu.memory_space<vmem>>
    %dma_start3A_198 = arith.constant 0 : i32
    %dma_start3A_199 = arith.constant 0 : i32
    %dma_start3A_200 = tpu.memref_slice %arg3[%dma_start3A_198, %dma_start3A_199] : memref<4000000x32xf32, #tpu.memory_space<hbm>> -> memref<4000000x32xf32, #tpu.memory_space<hbm>>
    tpu.enqueue_indirect_dma source(%dma_start3A_200 : memref<4000000x32xf32, #tpu.memory_space<hbm>>) target(%arg6 : memref<1024x32xf32, #tpu.memory_space<vmem>>) offsets(%dma_start3A_197 : memref<1024xi32, #tpu.memory_space<vmem>>) semaphore(%arg8 : memref<!tpu.dma_semaphore, #tpu.memory_space<semaphore_mem>>)
    %dma_wait3A_201 = arith.constant 3072 : i32
    %dma_wait3A_202 = tpu.memref_slice %arg5[%dma_wait3A_201] : memref<13312xi32, #tpu.memory_space<vmem>> -> memref<1024xi32, #tpu.memory_space<vmem>>
    %dma_wait3A_203 = arith.constant 0 : i32
    %dma_wait3A_204 = arith.constant 0 : i32
    %dma_wait3A_205 = tpu.memref_slice %arg3[%dma_wait3A_203, %dma_wait3A_204] : memref<4000000x32xf32, #tpu.memory_space<hbm>> -> memref<4000000x32xf32, #tpu.memory_space<hbm>>
    tpu.wait_indirect_dma semaphore(%arg9 : memref<!tpu.dma_semaphore, #tpu.memory_space<semaphore_mem>>) src(%dma_wait3A_205 : memref<4000000x32xf32, #tpu.memory_space<hbm>>) dst(%arg7 : memref<1024x32xf32, #tpu.memory_space<vmem>>)
    %add3A_206 = arith.constant 3 : i32
    %add3A_207 = arith.addi %mul3A_2, %add3A_206 : i32
    %jit3A_208 = arith.constant 16 : i32
    %div3A_209 = arith.divsi %add3A_207, %jit3A_208 : i32
    %sign3A_210 = arith.constant 0 : i32
    %sign3A_211 = arith.cmpi sgt, %add3A_207, %sign3A_210 : i32
    %sign3A_212 = arith.extui %sign3A_211 : i1 to i32
    %sign3A_213 = arith.constant 0 : i32
    %sign3A_214 = arith.cmpi slt, %add3A_207, %sign3A_213 : i32
    %sign3A_215 = arith.extui %sign3A_214 : i1 to i32
    %sign3A_216 = arith.subi %sign3A_212, %sign3A_215 : i32
    %sign3A_217 = arith.constant 0 : i32
    %sign3A_218 = arith.cmpi sgt, %jit3A_208, %sign3A_217 : i32
    %sign3A_219 = arith.extui %sign3A_218 : i1 to i32
    %sign3A_220 = arith.constant 0 : i32
    %sign3A_221 = arith.cmpi slt, %jit3A_208, %sign3A_220 : i32
    %sign3A_222 = arith.extui %sign3A_221 : i1 to i32
    %sign3A_223 = arith.subi %sign3A_219, %sign3A_222 : i32
    %ne3A_224 = arith.cmpi ne, %sign3A_216, %sign3A_223 : i32
    %rem3A_225 = arith.remsi %add3A_207, %jit3A_208 : i32
    %ne3A_226 = arith.constant 0 : i32
    %ne3A_227 = arith.cmpi ne, %rem3A_225, %ne3A_226 : i32
    %and3A_228 = arith.andi %ne3A_224, %ne3A_227 : i1
    %sub3A_229 = arith.constant 1 : i32
    %sub3A_230 = arith.subi %div3A_209, %sub3A_229 : i32
    %select_n3A_231 = arith.select %and3A_228, %sub3A_230, %div3A_209 : i32
    %jit3A_232 = arith.constant 16 : i32
    %eq3A_233 = arith.constant 0 : i32
    %eq3A_234 = arith.cmpi eq, %jit3A_232, %eq3A_233 : i32
    %jit3A_235 = arith.constant 1 : i32
    %select_n3A_236 = arith.select %eq3A_234, %jit3A_235, %jit3A_232 : i32
    %rem3A_237 = arith.remsi %add3A_207, %select_n3A_236 : i32
    %ne3A_238 = arith.constant 0 : i32
    %ne3A_239 = arith.cmpi ne, %rem3A_237, %ne3A_238 : i32
    %lt3A_240 = arith.constant 0 : i32
    %lt3A_241 = arith.cmpi slt, %rem3A_237, %lt3A_240 : i32
    %lt3A_242 = arith.constant 0 : i32
    %lt3A_243 = arith.cmpi slt, %select_n3A_236, %lt3A_242 : i32
    %ne3A_244 = arith.xori %lt3A_241, %lt3A_243 : i1
    %and3A_245 = arith.andi %ne3A_244, %ne3A_239 : i1
    %add3A_246 = arith.addi %rem3A_237, %select_n3A_236 : i32
    %select_n3A_247 = arith.select %and3A_245, %add3A_246, %rem3A_237 : i32
    %mul3A_248 = arith.constant 1024 : i32
    %mul3A_249 = arith.muli %select_n3A_247, %mul3A_248 : i32
    %dma_start3A_250 = arith.constant 0 : i32
    %dma_start3A_251 = tpu.memref_slice %arg4[%select_n3A_231, %mul3A_249, %dma_start3A_250] : memref<26x16384x32xf32, #tpu.memory_space<hbm>> -> memref<1x1024x32xf32, #tpu.memory_space<hbm>>
    %dma_start3A_252 = tpu.memref_squeeze %dma_start3A_251 : memref<1x1024x32xf32, #tpu.memory_space<hbm>> -> memref<1024x32xf32, #tpu.memory_space<hbm>>
    %dma_start3A_253 = arith.constant 0 : i32
    %dma_start3A_254 = tpu.memref_slice %arg4[%select_n3A_231, %mul3A_249, %dma_start3A_253] : memref<26x16384x32xf32, #tpu.memory_space<hbm>> -> memref<1x1024x32xf32, #tpu.memory_space<hbm>>
    %dma_start3A_255 = tpu.memref_squeeze %dma_start3A_254 : memref<1x1024x32xf32, #tpu.memory_space<hbm>> -> memref<1024x32xf32, #tpu.memory_space<hbm>>
    tpu.enqueue_dma source(%arg7 : memref<1024x32xf32, #tpu.memory_space<vmem>>) target(%dma_start3A_255 : memref<1024x32xf32, #tpu.memory_space<hbm>>) target_semaphore(%arg11 : memref<!tpu.dma_semaphore, #tpu.memory_space<semaphore_mem>>)
    %dma_wait3A_256 = arith.constant 0 : i32
    %dma_wait3A_257 = tpu.memref_slice %arg4[%select_n3A_231, %mul3A_249, %dma_wait3A_256] : memref<26x16384x32xf32, #tpu.memory_space<hbm>> -> memref<1x1024x32xf32, #tpu.memory_space<hbm>>
    %dma_wait3A_258 = tpu.memref_squeeze %dma_wait3A_257 : memref<1x1024x32xf32, #tpu.memory_space<hbm>> -> memref<1024x32xf32, #tpu.memory_space<hbm>>
    %dma_wait3A_259 = arith.constant 0 : i32
    %dma_wait3A_260 = tpu.memref_slice %arg4[%select_n3A_231, %mul3A_249, %dma_wait3A_259] : memref<26x16384x32xf32, #tpu.memory_space<hbm>> -> memref<1x1024x32xf32, #tpu.memory_space<hbm>>
    %dma_wait3A_261 = tpu.memref_squeeze %dma_wait3A_260 : memref<1x1024x32xf32, #tpu.memory_space<hbm>> -> memref<1024x32xf32, #tpu.memory_space<hbm>>
    tpu.wait_dma2 semaphore(%arg11 : memref<!tpu.dma_semaphore, #tpu.memory_space<semaphore_mem>>) src(%arg7 : memref<1024x32xf32, #tpu.memory_space<vmem>>) dst(%dma_wait3A_261 : memref<1024x32xf32, #tpu.memory_space<hbm>>)
    %dma_start3A_262 = arith.constant 5120 : i32
    %dma_start3A_263 = tpu.memref_slice %arg5[%dma_start3A_262] : memref<13312xi32, #tpu.memory_space<vmem>> -> memref<1024xi32, #tpu.memory_space<vmem>>
    %dma_start3A_264 = arith.constant 0 : i32
    %dma_start3A_265 = arith.constant 0 : i32
    %dma_start3A_266 = tpu.memref_slice %arg3[%dma_start3A_264, %dma_start3A_265] : memref<4000000x32xf32, #tpu.memory_space<hbm>> -> memref<4000000x32xf32, #tpu.memory_space<hbm>>
    tpu.enqueue_indirect_dma source(%dma_start3A_266 : memref<4000000x32xf32, #tpu.memory_space<hbm>>) target(%arg7 : memref<1024x32xf32, #tpu.memory_space<vmem>>) offsets(%dma_start3A_263 : memref<1024xi32, #tpu.memory_space<vmem>>) semaphore(%arg9 : memref<!tpu.dma_semaphore, #tpu.memory_space<semaphore_mem>>)
    %dma_wait3A_267 = arith.constant 4096 : i32
    %dma_wait3A_268 = tpu.memref_slice %arg5[%dma_wait3A_267] : memref<13312xi32, #tpu.memory_space<vmem>> -> memref<1024xi32, #tpu.memory_space<vmem>>
    %dma_wait3A_269 = arith.constant 0 : i32
    %dma_wait3A_270 = arith.constant 0 : i32
    %dma_wait3A_271 = tpu.memref_slice %arg3[%dma_wait3A_269, %dma_wait3A_270] : memref<4000000x32xf32, #tpu.memory_space<hbm>> -> memref<4000000x32xf32, #tpu.memory_space<hbm>>
    tpu.wait_indirect_dma semaphore(%arg8 : memref<!tpu.dma_semaphore, #tpu.memory_space<semaphore_mem>>) src(%dma_wait3A_271 : memref<4000000x32xf32, #tpu.memory_space<hbm>>) dst(%arg6 : memref<1024x32xf32, #tpu.memory_space<vmem>>)
    %add3A_272 = arith.constant 4 : i32
    %add3A_273 = arith.addi %mul3A_2, %add3A_272 : i32
    %jit3A_274 = arith.constant 16 : i32
    %div3A_275 = arith.divsi %add3A_273, %jit3A_274 : i32
    %sign3A_276 = arith.constant 0 : i32
    %sign3A_277 = arith.cmpi sgt, %add3A_273, %sign3A_276 : i32
    %sign3A_278 = arith.extui %sign3A_277 : i1 to i32
    %sign3A_279 = arith.constant 0 : i32
    %sign3A_280 = arith.cmpi slt, %add3A_273, %sign3A_279 : i32
    %sign3A_281 = arith.extui %sign3A_280 : i1 to i32
    %sign3A_282 = arith.subi %sign3A_278, %sign3A_281 : i32
    %sign3A_283 = arith.constant 0 : i32
    %sign3A_284 = arith.cmpi sgt, %jit3A_274, %sign3A_283 : i32
    %sign3A_285 = arith.extui %sign3A_284 : i1 to i32
    %sign3A_286 = arith.constant 0 : i32
    %sign3A_287 = arith.cmpi slt, %jit3A_274, %sign3A_286 : i32
    %sign3A_288 = arith.extui %sign3A_287 : i1 to i32
    %sign3A_289 = arith.subi %sign3A_285, %sign3A_288 : i32
    %ne3A_290 = arith.cmpi ne, %sign3A_282, %sign3A_289 : i32
    %rem3A_291 = arith.remsi %add3A_273, %jit3A_274 : i32
    %ne3A_292 = arith.constant 0 : i32
    %ne3A_293 = arith.cmpi ne, %rem3A_291, %ne3A_292 : i32
    %and3A_294 = arith.andi %ne3A_290, %ne3A_293 : i1
    %sub3A_295 = arith.constant 1 : i32
    %sub3A_296 = arith.subi %div3A_275, %sub3A_295 : i32
    %select_n3A_297 = arith.select %and3A_294, %sub3A_296, %div3A_275 : i32
    %jit3A_298 = arith.constant 16 : i32
    %eq3A_299 = arith.constant 0 : i32
    %eq3A_300 = arith.cmpi eq, %jit3A_298, %eq3A_299 : i32
    %jit3A_301 = arith.constant 1 : i32
    %select_n3A_302 = arith.select %eq3A_300, %jit3A_301, %jit3A_298 : i32
    %rem3A_303 = arith.remsi %add3A_273, %select_n3A_302 : i32
    %ne3A_304 = arith.constant 0 : i32
    %ne3A_305 = arith.cmpi ne, %rem3A_303, %ne3A_304 : i32
    %lt3A_306 = arith.constant 0 : i32
    %lt3A_307 = arith.cmpi slt, %rem3A_303, %lt3A_306 : i32
    %lt3A_308 = arith.constant 0 : i32
    %lt3A_309 = arith.cmpi slt, %select_n3A_302, %lt3A_308 : i32
    %ne3A_310 = arith.xori %lt3A_307, %lt3A_309 : i1
    %and3A_311 = arith.andi %ne3A_310, %ne3A_305 : i1
    %add3A_312 = arith.addi %rem3A_303, %select_n3A_302 : i32
    %select_n3A_313 = arith.select %and3A_311, %add3A_312, %rem3A_303 : i32
    %mul3A_314 = arith.constant 1024 : i32
    %mul3A_315 = arith.muli %select_n3A_313, %mul3A_314 : i32
    %dma_start3A_316 = arith.constant 0 : i32
    %dma_start3A_317 = tpu.memref_slice %arg4[%select_n3A_297, %mul3A_315, %dma_start3A_316] : memref<26x16384x32xf32, #tpu.memory_space<hbm>> -> memref<1x1024x32xf32, #tpu.memory_space<hbm>>
    %dma_start3A_318 = tpu.memref_squeeze %dma_start3A_317 : memref<1x1024x32xf32, #tpu.memory_space<hbm>> -> memref<1024x32xf32, #tpu.memory_space<hbm>>
    %dma_start3A_319 = arith.constant 0 : i32
    %dma_start3A_320 = tpu.memref_slice %arg4[%select_n3A_297, %mul3A_315, %dma_start3A_319] : memref<26x16384x32xf32, #tpu.memory_space<hbm>> -> memref<1x1024x32xf32, #tpu.memory_space<hbm>>
    %dma_start3A_321 = tpu.memref_squeeze %dma_start3A_320 : memref<1x1024x32xf32, #tpu.memory_space<hbm>> -> memref<1024x32xf32, #tpu.memory_space<hbm>>
    tpu.enqueue_dma source(%arg6 : memref<1024x32xf32, #tpu.memory_space<vmem>>) target(%dma_start3A_321 : memref<1024x32xf32, #tpu.memory_space<hbm>>) target_semaphore(%arg10 : memref<!tpu.dma_semaphore, #tpu.memory_space<semaphore_mem>>)
    %dma_wait3A_322 = arith.constant 0 : i32
    %dma_wait3A_323 = tpu.memref_slice %arg4[%select_n3A_297, %mul3A_315, %dma_wait3A_322] : memref<26x16384x32xf32, #tpu.memory_space<hbm>> -> memref<1x1024x32xf32, #tpu.memory_space<hbm>>
    %dma_wait3A_324 = tpu.memref_squeeze %dma_wait3A_323 : memref<1x1024x32xf32, #tpu.memory_space<hbm>> -> memref<1024x32xf32, #tpu.memory_space<hbm>>
    %dma_wait3A_325 = arith.constant 0 : i32
    %dma_wait3A_326 = tpu.memref_slice %arg4[%select_n3A_297, %mul3A_315, %dma_wait3A_325] : memref<26x16384x32xf32, #tpu.memory_space<hbm>> -> memref<1x1024x32xf32, #tpu.memory_space<hbm>>
    %dma_wait3A_327 = tpu.memref_squeeze %dma_wait3A_326 : memref<1x1024x32xf32, #tpu.memory_space<hbm>> -> memref<1024x32xf32, #tpu.memory_space<hbm>>
    tpu.wait_dma2 semaphore(%arg10 : memref<!tpu.dma_semaphore, #tpu.memory_space<semaphore_mem>>) src(%arg6 : memref<1024x32xf32, #tpu.memory_space<vmem>>) dst(%dma_wait3A_327 : memref<1024x32xf32, #tpu.memory_space<hbm>>)
    %dma_start3A_328 = arith.constant 6144 : i32
    %dma_start3A_329 = tpu.memref_slice %arg5[%dma_start3A_328] : memref<13312xi32, #tpu.memory_space<vmem>> -> memref<1024xi32, #tpu.memory_space<vmem>>
    %dma_start3A_330 = arith.constant 0 : i32
    %dma_start3A_331 = arith.constant 0 : i32
    %dma_start3A_332 = tpu.memref_slice %arg3[%dma_start3A_330, %dma_start3A_331] : memref<4000000x32xf32, #tpu.memory_space<hbm>> -> memref<4000000x32xf32, #tpu.memory_space<hbm>>
    tpu.enqueue_indirect_dma source(%dma_start3A_332 : memref<4000000x32xf32, #tpu.memory_space<hbm>>) target(%arg6 : memref<1024x32xf32, #tpu.memory_space<vmem>>) offsets(%dma_start3A_329 : memref<1024xi32, #tpu.memory_space<vmem>>) semaphore(%arg8 : memref<!tpu.dma_semaphore, #tpu.memory_space<semaphore_mem>>)
    %dma_wait3A_333 = arith.constant 5120 : i32
    %dma_wait3A_334 = tpu.memref_slice %arg5[%dma_wait3A_333] : memref<13312xi32, #tpu.memory_space<vmem>> -> memref<1024xi32, #tpu.memory_space<vmem>>
    %dma_wait3A_335 = arith.constant 0 : i32
    %dma_wait3A_336 = arith.constant 0 : i32
    %dma_wait3A_337 = tpu.memref_slice %arg3[%dma_wait3A_335, %dma_wait3A_336] : memref<4000000x32xf32, #tpu.memory_space<hbm>> -> memref<4000000x32xf32, #tpu.memory_space<hbm>>
    tpu.wait_indirect_dma semaphore(%arg9 : memref<!tpu.dma_semaphore, #tpu.memory_space<semaphore_mem>>) src(%dma_wait3A_337 : memref<4000000x32xf32, #tpu.memory_space<hbm>>) dst(%arg7 : memref<1024x32xf32, #tpu.memory_space<vmem>>)
    %add3A_338 = arith.constant 5 : i32
    %add3A_339 = arith.addi %mul3A_2, %add3A_338 : i32
    %jit3A_340 = arith.constant 16 : i32
    %div3A_341 = arith.divsi %add3A_339, %jit3A_340 : i32
    %sign3A_342 = arith.constant 0 : i32
    %sign3A_343 = arith.cmpi sgt, %add3A_339, %sign3A_342 : i32
    %sign3A_344 = arith.extui %sign3A_343 : i1 to i32
    %sign3A_345 = arith.constant 0 : i32
    %sign3A_346 = arith.cmpi slt, %add3A_339, %sign3A_345 : i32
    %sign3A_347 = arith.extui %sign3A_346 : i1 to i32
    %sign3A_348 = arith.subi %sign3A_344, %sign3A_347 : i32
    %sign3A_349 = arith.constant 0 : i32
    %sign3A_350 = arith.cmpi sgt, %jit3A_340, %sign3A_349 : i32
    %sign3A_351 = arith.extui %sign3A_350 : i1 to i32
    %sign3A_352 = arith.constant 0 : i32
    %sign3A_353 = arith.cmpi slt, %jit3A_340, %sign3A_352 : i32
    %sign3A_354 = arith.extui %sign3A_353 : i1 to i32
    %sign3A_355 = arith.subi %sign3A_351, %sign3A_354 : i32
    %ne3A_356 = arith.cmpi ne, %sign3A_348, %sign3A_355 : i32
    %rem3A_357 = arith.remsi %add3A_339, %jit3A_340 : i32
    %ne3A_358 = arith.constant 0 : i32
    %ne3A_359 = arith.cmpi ne, %rem3A_357, %ne3A_358 : i32
    %and3A_360 = arith.andi %ne3A_356, %ne3A_359 : i1
    %sub3A_361 = arith.constant 1 : i32
    %sub3A_362 = arith.subi %div3A_341, %sub3A_361 : i32
    %select_n3A_363 = arith.select %and3A_360, %sub3A_362, %div3A_341 : i32
    %jit3A_364 = arith.constant 16 : i32
    %eq3A_365 = arith.constant 0 : i32
    %eq3A_366 = arith.cmpi eq, %jit3A_364, %eq3A_365 : i32
    %jit3A_367 = arith.constant 1 : i32
    %select_n3A_368 = arith.select %eq3A_366, %jit3A_367, %jit3A_364 : i32
    %rem3A_369 = arith.remsi %add3A_339, %select_n3A_368 : i32
    %ne3A_370 = arith.constant 0 : i32
    %ne3A_371 = arith.cmpi ne, %rem3A_369, %ne3A_370 : i32
    %lt3A_372 = arith.constant 0 : i32
    %lt3A_373 = arith.cmpi slt, %rem3A_369, %lt3A_372 : i32
    %lt3A_374 = arith.constant 0 : i32
    %lt3A_375 = arith.cmpi slt, %select_n3A_368, %lt3A_374 : i32
    %ne3A_376 = arith.xori %lt3A_373, %lt3A_375 : i1
    %and3A_377 = arith.andi %ne3A_376, %ne3A_371 : i1
    %add3A_378 = arith.addi %rem3A_369, %select_n3A_368 : i32
    %select_n3A_379 = arith.select %and3A_377, %add3A_378, %rem3A_369 : i32
    %mul3A_380 = arith.constant 1024 : i32
    %mul3A_381 = arith.muli %select_n3A_379, %mul3A_380 : i32
    %dma_start3A_382 = arith.constant 0 : i32
    %dma_start3A_383 = tpu.memref_slice %arg4[%select_n3A_363, %mul3A_381, %dma_start3A_382] : memref<26x16384x32xf32, #tpu.memory_space<hbm>> -> memref<1x1024x32xf32, #tpu.memory_space<hbm>>
    %dma_start3A_384 = tpu.memref_squeeze %dma_start3A_383 : memref<1x1024x32xf32, #tpu.memory_space<hbm>> -> memref<1024x32xf32, #tpu.memory_space<hbm>>
    %dma_start3A_385 = arith.constant 0 : i32
    %dma_start3A_386 = tpu.memref_slice %arg4[%select_n3A_363, %mul3A_381, %dma_start3A_385] : memref<26x16384x32xf32, #tpu.memory_space<hbm>> -> memref<1x1024x32xf32, #tpu.memory_space<hbm>>
    %dma_start3A_387 = tpu.memref_squeeze %dma_start3A_386 : memref<1x1024x32xf32, #tpu.memory_space<hbm>> -> memref<1024x32xf32, #tpu.memory_space<hbm>>
    tpu.enqueue_dma source(%arg7 : memref<1024x32xf32, #tpu.memory_space<vmem>>) target(%dma_start3A_387 : memref<1024x32xf32, #tpu.memory_space<hbm>>) target_semaphore(%arg11 : memref<!tpu.dma_semaphore, #tpu.memory_space<semaphore_mem>>)
    %dma_wait3A_388 = arith.constant 0 : i32
    %dma_wait3A_389 = tpu.memref_slice %arg4[%select_n3A_363, %mul3A_381, %dma_wait3A_388] : memref<26x16384x32xf32, #tpu.memory_space<hbm>> -> memref<1x1024x32xf32, #tpu.memory_space<hbm>>
    %dma_wait3A_390 = tpu.memref_squeeze %dma_wait3A_389 : memref<1x1024x32xf32, #tpu.memory_space<hbm>> -> memref<1024x32xf32, #tpu.memory_space<hbm>>
    %dma_wait3A_391 = arith.constant 0 : i32
    %dma_wait3A_392 = tpu.memref_slice %arg4[%select_n3A_363, %mul3A_381, %dma_wait3A_391] : memref<26x16384x32xf32, #tpu.memory_space<hbm>> -> memref<1x1024x32xf32, #tpu.memory_space<hbm>>
    %dma_wait3A_393 = tpu.memref_squeeze %dma_wait3A_392 : memref<1x1024x32xf32, #tpu.memory_space<hbm>> -> memref<1024x32xf32, #tpu.memory_space<hbm>>
    tpu.wait_dma2 semaphore(%arg11 : memref<!tpu.dma_semaphore, #tpu.memory_space<semaphore_mem>>) src(%arg7 : memref<1024x32xf32, #tpu.memory_space<vmem>>) dst(%dma_wait3A_393 : memref<1024x32xf32, #tpu.memory_space<hbm>>)
    %dma_start3A_394 = arith.constant 7168 : i32
    %dma_start3A_395 = tpu.memref_slice %arg5[%dma_start3A_394] : memref<13312xi32, #tpu.memory_space<vmem>> -> memref<1024xi32, #tpu.memory_space<vmem>>
    %dma_start3A_396 = arith.constant 0 : i32
    %dma_start3A_397 = arith.constant 0 : i32
    %dma_start3A_398 = tpu.memref_slice %arg3[%dma_start3A_396, %dma_start3A_397] : memref<4000000x32xf32, #tpu.memory_space<hbm>> -> memref<4000000x32xf32, #tpu.memory_space<hbm>>
    tpu.enqueue_indirect_dma source(%dma_start3A_398 : memref<4000000x32xf32, #tpu.memory_space<hbm>>) target(%arg7 : memref<1024x32xf32, #tpu.memory_space<vmem>>) offsets(%dma_start3A_395 : memref<1024xi32, #tpu.memory_space<vmem>>) semaphore(%arg9 : memref<!tpu.dma_semaphore, #tpu.memory_space<semaphore_mem>>)
    %dma_wait3A_399 = arith.constant 6144 : i32
    %dma_wait3A_400 = tpu.memref_slice %arg5[%dma_wait3A_399] : memref<13312xi32, #tpu.memory_space<vmem>> -> memref<1024xi32, #tpu.memory_space<vmem>>
    %dma_wait3A_401 = arith.constant 0 : i32
    %dma_wait3A_402 = arith.constant 0 : i32
    %dma_wait3A_403 = tpu.memref_slice %arg3[%dma_wait3A_401, %dma_wait3A_402] : memref<4000000x32xf32, #tpu.memory_space<hbm>> -> memref<4000000x32xf32, #tpu.memory_space<hbm>>
    tpu.wait_indirect_dma semaphore(%arg8 : memref<!tpu.dma_semaphore, #tpu.memory_space<semaphore_mem>>) src(%dma_wait3A_403 : memref<4000000x32xf32, #tpu.memory_space<hbm>>) dst(%arg6 : memref<1024x32xf32, #tpu.memory_space<vmem>>)
    %add3A_404 = arith.constant 6 : i32
    %add3A_405 = arith.addi %mul3A_2, %add3A_404 : i32
    %jit3A_406 = arith.constant 16 : i32
    %div3A_407 = arith.divsi %add3A_405, %jit3A_406 : i32
    %sign3A_408 = arith.constant 0 : i32
    %sign3A_409 = arith.cmpi sgt, %add3A_405, %sign3A_408 : i32
    %sign3A_410 = arith.extui %sign3A_409 : i1 to i32
    %sign3A_411 = arith.constant 0 : i32
    %sign3A_412 = arith.cmpi slt, %add3A_405, %sign3A_411 : i32
    %sign3A_413 = arith.extui %sign3A_412 : i1 to i32
    %sign3A_414 = arith.subi %sign3A_410, %sign3A_413 : i32
    %sign3A_415 = arith.constant 0 : i32
    %sign3A_416 = arith.cmpi sgt, %jit3A_406, %sign3A_415 : i32
    %sign3A_417 = arith.extui %sign3A_416 : i1 to i32
    %sign3A_418 = arith.constant 0 : i32
    %sign3A_419 = arith.cmpi slt, %jit3A_406, %sign3A_418 : i32
    %sign3A_420 = arith.extui %sign3A_419 : i1 to i32
    %sign3A_421 = arith.subi %sign3A_417, %sign3A_420 : i32
    %ne3A_422 = arith.cmpi ne, %sign3A_414, %sign3A_421 : i32
    %rem3A_423 = arith.remsi %add3A_405, %jit3A_406 : i32
    %ne3A_424 = arith.constant 0 : i32
    %ne3A_425 = arith.cmpi ne, %rem3A_423, %ne3A_424 : i32
    %and3A_426 = arith.andi %ne3A_422, %ne3A_425 : i1
    %sub3A_427 = arith.constant 1 : i32
    %sub3A_428 = arith.subi %div3A_407, %sub3A_427 : i32
    %select_n3A_429 = arith.select %and3A_426, %sub3A_428, %div3A_407 : i32
    %jit3A_430 = arith.constant 16 : i32
    %eq3A_431 = arith.constant 0 : i32
    %eq3A_432 = arith.cmpi eq, %jit3A_430, %eq3A_431 : i32
    %jit3A_433 = arith.constant 1 : i32
    %select_n3A_434 = arith.select %eq3A_432, %jit3A_433, %jit3A_430 : i32
    %rem3A_435 = arith.remsi %add3A_405, %select_n3A_434 : i32
    %ne3A_436 = arith.constant 0 : i32
    %ne3A_437 = arith.cmpi ne, %rem3A_435, %ne3A_436 : i32
    %lt3A_438 = arith.constant 0 : i32
    %lt3A_439 = arith.cmpi slt, %rem3A_435, %lt3A_438 : i32
    %lt3A_440 = arith.constant 0 : i32
    %lt3A_441 = arith.cmpi slt, %select_n3A_434, %lt3A_440 : i32
    %ne3A_442 = arith.xori %lt3A_439, %lt3A_441 : i1
    %and3A_443 = arith.andi %ne3A_442, %ne3A_437 : i1
    %add3A_444 = arith.addi %rem3A_435, %select_n3A_434 : i32
    %select_n3A_445 = arith.select %and3A_443, %add3A_444, %rem3A_435 : i32
    %mul3A_446 = arith.constant 1024 : i32
    %mul3A_447 = arith.muli %select_n3A_445, %mul3A_446 : i32
    %dma_start3A_448 = arith.constant 0 : i32
    %dma_start3A_449 = tpu.memref_slice %arg4[%select_n3A_429, %mul3A_447, %dma_start3A_448] : memref<26x16384x32xf32, #tpu.memory_space<hbm>> -> memref<1x1024x32xf32, #tpu.memory_space<hbm>>
    %dma_start3A_450 = tpu.memref_squeeze %dma_start3A_449 : memref<1x1024x32xf32, #tpu.memory_space<hbm>> -> memref<1024x32xf32, #tpu.memory_space<hbm>>
    %dma_start3A_451 = arith.constant 0 : i32
    %dma_start3A_452 = tpu.memref_slice %arg4[%select_n3A_429, %mul3A_447, %dma_start3A_451] : memref<26x16384x32xf32, #tpu.memory_space<hbm>> -> memref<1x1024x32xf32, #tpu.memory_space<hbm>>
    %dma_start3A_453 = tpu.memref_squeeze %dma_start3A_452 : memref<1x1024x32xf32, #tpu.memory_space<hbm>> -> memref<1024x32xf32, #tpu.memory_space<hbm>>
    tpu.enqueue_dma source(%arg6 : memref<1024x32xf32, #tpu.memory_space<vmem>>) target(%dma_start3A_453 : memref<1024x32xf32, #tpu.memory_space<hbm>>) target_semaphore(%arg10 : memref<!tpu.dma_semaphore, #tpu.memory_space<semaphore_mem>>)
    %dma_wait3A_454 = arith.constant 0 : i32
    %dma_wait3A_455 = tpu.memref_slice %arg4[%select_n3A_429, %mul3A_447, %dma_wait3A_454] : memref<26x16384x32xf32, #tpu.memory_space<hbm>> -> memref<1x1024x32xf32, #tpu.memory_space<hbm>>
    %dma_wait3A_456 = tpu.memref_squeeze %dma_wait3A_455 : memref<1x1024x32xf32, #tpu.memory_space<hbm>> -> memref<1024x32xf32, #tpu.memory_space<hbm>>
    %dma_wait3A_457 = arith.constant 0 : i32
    %dma_wait3A_458 = tpu.memref_slice %arg4[%select_n3A_429, %mul3A_447, %dma_wait3A_457] : memref<26x16384x32xf32, #tpu.memory_space<hbm>> -> memref<1x1024x32xf32, #tpu.memory_space<hbm>>
    %dma_wait3A_459 = tpu.memref_squeeze %dma_wait3A_458 : memref<1x1024x32xf32, #tpu.memory_space<hbm>> -> memref<1024x32xf32, #tpu.memory_space<hbm>>
    tpu.wait_dma2 semaphore(%arg10 : memref<!tpu.dma_semaphore, #tpu.memory_space<semaphore_mem>>) src(%arg6 : memref<1024x32xf32, #tpu.memory_space<vmem>>) dst(%dma_wait3A_459 : memref<1024x32xf32, #tpu.memory_space<hbm>>)
    %dma_start3A_460 = arith.constant 8192 : i32
    %dma_start3A_461 = tpu.memref_slice %arg5[%dma_start3A_460] : memref<13312xi32, #tpu.memory_space<vmem>> -> memref<1024xi32, #tpu.memory_space<vmem>>
    %dma_start3A_462 = arith.constant 0 : i32
    %dma_start3A_463 = arith.constant 0 : i32
    %dma_start3A_464 = tpu.memref_slice %arg3[%dma_start3A_462, %dma_start3A_463] : memref<4000000x32xf32, #tpu.memory_space<hbm>> -> memref<4000000x32xf32, #tpu.memory_space<hbm>>
    tpu.enqueue_indirect_dma source(%dma_start3A_464 : memref<4000000x32xf32, #tpu.memory_space<hbm>>) target(%arg6 : memref<1024x32xf32, #tpu.memory_space<vmem>>) offsets(%dma_start3A_461 : memref<1024xi32, #tpu.memory_space<vmem>>) semaphore(%arg8 : memref<!tpu.dma_semaphore, #tpu.memory_space<semaphore_mem>>)
    %dma_wait3A_465 = arith.constant 7168 : i32
    %dma_wait3A_466 = tpu.memref_slice %arg5[%dma_wait3A_465] : memref<13312xi32, #tpu.memory_space<vmem>> -> memref<1024xi32, #tpu.memory_space<vmem>>
    %dma_wait3A_467 = arith.constant 0 : i32
    %dma_wait3A_468 = arith.constant 0 : i32
    %dma_wait3A_469 = tpu.memref_slice %arg3[%dma_wait3A_467, %dma_wait3A_468] : memref<4000000x32xf32, #tpu.memory_space<hbm>> -> memref<4000000x32xf32, #tpu.memory_space<hbm>>
    tpu.wait_indirect_dma semaphore(%arg9 : memref<!tpu.dma_semaphore, #tpu.memory_space<semaphore_mem>>) src(%dma_wait3A_469 : memref<4000000x32xf32, #tpu.memory_space<hbm>>) dst(%arg7 : memref<1024x32xf32, #tpu.memory_space<vmem>>)
    %add3A_470 = arith.constant 7 : i32
    %add3A_471 = arith.addi %mul3A_2, %add3A_470 : i32
    %jit3A_472 = arith.constant 16 : i32
    %div3A_473 = arith.divsi %add3A_471, %jit3A_472 : i32
    %sign3A_474 = arith.constant 0 : i32
    %sign3A_475 = arith.cmpi sgt, %add3A_471, %sign3A_474 : i32
    %sign3A_476 = arith.extui %sign3A_475 : i1 to i32
    %sign3A_477 = arith.constant 0 : i32
    %sign3A_478 = arith.cmpi slt, %add3A_471, %sign3A_477 : i32
    %sign3A_479 = arith.extui %sign3A_478 : i1 to i32
    %sign3A_480 = arith.subi %sign3A_476, %sign3A_479 : i32
    %sign3A_481 = arith.constant 0 : i32
    %sign3A_482 = arith.cmpi sgt, %jit3A_472, %sign3A_481 : i32
    %sign3A_483 = arith.extui %sign3A_482 : i1 to i32
    %sign3A_484 = arith.constant 0 : i32
    %sign3A_485 = arith.cmpi slt, %jit3A_472, %sign3A_484 : i32
    %sign3A_486 = arith.extui %sign3A_485 : i1 to i32
    %sign3A_487 = arith.subi %sign3A_483, %sign3A_486 : i32
    %ne3A_488 = arith.cmpi ne, %sign3A_480, %sign3A_487 : i32
    %rem3A_489 = arith.remsi %add3A_471, %jit3A_472 : i32
    %ne3A_490 = arith.constant 0 : i32
    %ne3A_491 = arith.cmpi ne, %rem3A_489, %ne3A_490 : i32
    %and3A_492 = arith.andi %ne3A_488, %ne3A_491 : i1
    %sub3A_493 = arith.constant 1 : i32
    %sub3A_494 = arith.subi %div3A_473, %sub3A_493 : i32
    %select_n3A_495 = arith.select %and3A_492, %sub3A_494, %div3A_473 : i32
    %jit3A_496 = arith.constant 16 : i32
    %eq3A_497 = arith.constant 0 : i32
    %eq3A_498 = arith.cmpi eq, %jit3A_496, %eq3A_497 : i32
    %jit3A_499 = arith.constant 1 : i32
    %select_n3A_500 = arith.select %eq3A_498, %jit3A_499, %jit3A_496 : i32
    %rem3A_501 = arith.remsi %add3A_471, %select_n3A_500 : i32
    %ne3A_502 = arith.constant 0 : i32
    %ne3A_503 = arith.cmpi ne, %rem3A_501, %ne3A_502 : i32
    %lt3A_504 = arith.constant 0 : i32
    %lt3A_505 = arith.cmpi slt, %rem3A_501, %lt3A_504 : i32
    %lt3A_506 = arith.constant 0 : i32
    %lt3A_507 = arith.cmpi slt, %select_n3A_500, %lt3A_506 : i32
    %ne3A_508 = arith.xori %lt3A_505, %lt3A_507 : i1
    %and3A_509 = arith.andi %ne3A_508, %ne3A_503 : i1
    %add3A_510 = arith.addi %rem3A_501, %select_n3A_500 : i32
    %select_n3A_511 = arith.select %and3A_509, %add3A_510, %rem3A_501 : i32
    %mul3A_512 = arith.constant 1024 : i32
    %mul3A_513 = arith.muli %select_n3A_511, %mul3A_512 : i32
    %dma_start3A_514 = arith.constant 0 : i32
    %dma_start3A_515 = tpu.memref_slice %arg4[%select_n3A_495, %mul3A_513, %dma_start3A_514] : memref<26x16384x32xf32, #tpu.memory_space<hbm>> -> memref<1x1024x32xf32, #tpu.memory_space<hbm>>
    %dma_start3A_516 = tpu.memref_squeeze %dma_start3A_515 : memref<1x1024x32xf32, #tpu.memory_space<hbm>> -> memref<1024x32xf32, #tpu.memory_space<hbm>>
    %dma_start3A_517 = arith.constant 0 : i32
    %dma_start3A_518 = tpu.memref_slice %arg4[%select_n3A_495, %mul3A_513, %dma_start3A_517] : memref<26x16384x32xf32, #tpu.memory_space<hbm>> -> memref<1x1024x32xf32, #tpu.memory_space<hbm>>
    %dma_start3A_519 = tpu.memref_squeeze %dma_start3A_518 : memref<1x1024x32xf32, #tpu.memory_space<hbm>> -> memref<1024x32xf32, #tpu.memory_space<hbm>>
    tpu.enqueue_dma source(%arg7 : memref<1024x32xf32, #tpu.memory_space<vmem>>) target(%dma_start3A_519 : memref<1024x32xf32, #tpu.memory_space<hbm>>) target_semaphore(%arg11 : memref<!tpu.dma_semaphore, #tpu.memory_space<semaphore_mem>>)
    %dma_wait3A_520 = arith.constant 0 : i32
    %dma_wait3A_521 = tpu.memref_slice %arg4[%select_n3A_495, %mul3A_513, %dma_wait3A_520] : memref<26x16384x32xf32, #tpu.memory_space<hbm>> -> memref<1x1024x32xf32, #tpu.memory_space<hbm>>
    %dma_wait3A_522 = tpu.memref_squeeze %dma_wait3A_521 : memref<1x1024x32xf32, #tpu.memory_space<hbm>> -> memref<1024x32xf32, #tpu.memory_space<hbm>>
    %dma_wait3A_523 = arith.constant 0 : i32
    %dma_wait3A_524 = tpu.memref_slice %arg4[%select_n3A_495, %mul3A_513, %dma_wait3A_523] : memref<26x16384x32xf32, #tpu.memory_space<hbm>> -> memref<1x1024x32xf32, #tpu.memory_space<hbm>>
    %dma_wait3A_525 = tpu.memref_squeeze %dma_wait3A_524 : memref<1x1024x32xf32, #tpu.memory_space<hbm>> -> memref<1024x32xf32, #tpu.memory_space<hbm>>
    tpu.wait_dma2 semaphore(%arg11 : memref<!tpu.dma_semaphore, #tpu.memory_space<semaphore_mem>>) src(%arg7 : memref<1024x32xf32, #tpu.memory_space<vmem>>) dst(%dma_wait3A_525 : memref<1024x32xf32, #tpu.memory_space<hbm>>)
    %dma_start3A_526 = arith.constant 9216 : i32
    %dma_start3A_527 = tpu.memref_slice %arg5[%dma_start3A_526] : memref<13312xi32, #tpu.memory_space<vmem>> -> memref<1024xi32, #tpu.memory_space<vmem>>
    %dma_start3A_528 = arith.constant 0 : i32
    %dma_start3A_529 = arith.constant 0 : i32
    %dma_start3A_530 = tpu.memref_slice %arg3[%dma_start3A_528, %dma_start3A_529] : memref<4000000x32xf32, #tpu.memory_space<hbm>> -> memref<4000000x32xf32, #tpu.memory_space<hbm>>
    tpu.enqueue_indirect_dma source(%dma_start3A_530 : memref<4000000x32xf32, #tpu.memory_space<hbm>>) target(%arg7 : memref<1024x32xf32, #tpu.memory_space<vmem>>) offsets(%dma_start3A_527 : memref<1024xi32, #tpu.memory_space<vmem>>) semaphore(%arg9 : memref<!tpu.dma_semaphore, #tpu.memory_space<semaphore_mem>>)
    %dma_wait3A_531 = arith.constant 8192 : i32
    %dma_wait3A_532 = tpu.memref_slice %arg5[%dma_wait3A_531] : memref<13312xi32, #tpu.memory_space<vmem>> -> memref<1024xi32, #tpu.memory_space<vmem>>
    %dma_wait3A_533 = arith.constant 0 : i32
    %dma_wait3A_534 = arith.constant 0 : i32
    %dma_wait3A_535 = tpu.memref_slice %arg3[%dma_wait3A_533, %dma_wait3A_534] : memref<4000000x32xf32, #tpu.memory_space<hbm>> -> memref<4000000x32xf32, #tpu.memory_space<hbm>>
    tpu.wait_indirect_dma semaphore(%arg8 : memref<!tpu.dma_semaphore, #tpu.memory_space<semaphore_mem>>) src(%dma_wait3A_535 : memref<4000000x32xf32, #tpu.memory_space<hbm>>) dst(%arg6 : memref<1024x32xf32, #tpu.memory_space<vmem>>)
    %add3A_536 = arith.constant 8 : i32
    %add3A_537 = arith.addi %mul3A_2, %add3A_536 : i32
    %jit3A_538 = arith.constant 16 : i32
    %div3A_539 = arith.divsi %add3A_537, %jit3A_538 : i32
    %sign3A_540 = arith.constant 0 : i32
    %sign3A_541 = arith.cmpi sgt, %add3A_537, %sign3A_540 : i32
    %sign3A_542 = arith.extui %sign3A_541 : i1 to i32
    %sign3A_543 = arith.constant 0 : i32
    %sign3A_544 = arith.cmpi slt, %add3A_537, %sign3A_543 : i32
    %sign3A_545 = arith.extui %sign3A_544 : i1 to i32
    %sign3A_546 = arith.subi %sign3A_542, %sign3A_545 : i32
    %sign3A_547 = arith.constant 0 : i32
    %sign3A_548 = arith.cmpi sgt, %jit3A_538, %sign3A_547 : i32
    %sign3A_549 = arith.extui %sign3A_548 : i1 to i32
    %sign3A_550 = arith.constant 0 : i32
    %sign3A_551 = arith.cmpi slt, %jit3A_538, %sign3A_550 : i32
    %sign3A_552 = arith.extui %sign3A_551 : i1 to i32
    %sign3A_553 = arith.subi %sign3A_549, %sign3A_552 : i32
    %ne3A_554 = arith.cmpi ne, %sign3A_546, %sign3A_553 : i32
    %rem3A_555 = arith.remsi %add3A_537, %jit3A_538 : i32
    %ne3A_556 = arith.constant 0 : i32
    %ne3A_557 = arith.cmpi ne, %rem3A_555, %ne3A_556 : i32
    %and3A_558 = arith.andi %ne3A_554, %ne3A_557 : i1
    %sub3A_559 = arith.constant 1 : i32
    %sub3A_560 = arith.subi %div3A_539, %sub3A_559 : i32
    %select_n3A_561 = arith.select %and3A_558, %sub3A_560, %div3A_539 : i32
    %jit3A_562 = arith.constant 16 : i32
    %eq3A_563 = arith.constant 0 : i32
    %eq3A_564 = arith.cmpi eq, %jit3A_562, %eq3A_563 : i32
    %jit3A_565 = arith.constant 1 : i32
    %select_n3A_566 = arith.select %eq3A_564, %jit3A_565, %jit3A_562 : i32
    %rem3A_567 = arith.remsi %add3A_537, %select_n3A_566 : i32
    %ne3A_568 = arith.constant 0 : i32
    %ne3A_569 = arith.cmpi ne, %rem3A_567, %ne3A_568 : i32
    %lt3A_570 = arith.constant 0 : i32
    %lt3A_571 = arith.cmpi slt, %rem3A_567, %lt3A_570 : i32
    %lt3A_572 = arith.constant 0 : i32
    %lt3A_573 = arith.cmpi slt, %select_n3A_566, %lt3A_572 : i32
    %ne3A_574 = arith.xori %lt3A_571, %lt3A_573 : i1
    %and3A_575 = arith.andi %ne3A_574, %ne3A_569 : i1
    %add3A_576 = arith.addi %rem3A_567, %select_n3A_566 : i32
    %select_n3A_577 = arith.select %and3A_575, %add3A_576, %rem3A_567 : i32
    %mul3A_578 = arith.constant 1024 : i32
    %mul3A_579 = arith.muli %select_n3A_577, %mul3A_578 : i32
    %dma_start3A_580 = arith.constant 0 : i32
    %dma_start3A_581 = tpu.memref_slice %arg4[%select_n3A_561, %mul3A_579, %dma_start3A_580] : memref<26x16384x32xf32, #tpu.memory_space<hbm>> -> memref<1x1024x32xf32, #tpu.memory_space<hbm>>
    %dma_start3A_582 = tpu.memref_squeeze %dma_start3A_581 : memref<1x1024x32xf32, #tpu.memory_space<hbm>> -> memref<1024x32xf32, #tpu.memory_space<hbm>>
    %dma_start3A_583 = arith.constant 0 : i32
    %dma_start3A_584 = tpu.memref_slice %arg4[%select_n3A_561, %mul3A_579, %dma_start3A_583] : memref<26x16384x32xf32, #tpu.memory_space<hbm>> -> memref<1x1024x32xf32, #tpu.memory_space<hbm>>
    %dma_start3A_585 = tpu.memref_squeeze %dma_start3A_584 : memref<1x1024x32xf32, #tpu.memory_space<hbm>> -> memref<1024x32xf32, #tpu.memory_space<hbm>>
    tpu.enqueue_dma source(%arg6 : memref<1024x32xf32, #tpu.memory_space<vmem>>) target(%dma_start3A_585 : memref<1024x32xf32, #tpu.memory_space<hbm>>) target_semaphore(%arg10 : memref<!tpu.dma_semaphore, #tpu.memory_space<semaphore_mem>>)
    %dma_wait3A_586 = arith.constant 0 : i32
    %dma_wait3A_587 = tpu.memref_slice %arg4[%select_n3A_561, %mul3A_579, %dma_wait3A_586] : memref<26x16384x32xf32, #tpu.memory_space<hbm>> -> memref<1x1024x32xf32, #tpu.memory_space<hbm>>
    %dma_wait3A_588 = tpu.memref_squeeze %dma_wait3A_587 : memref<1x1024x32xf32, #tpu.memory_space<hbm>> -> memref<1024x32xf32, #tpu.memory_space<hbm>>
    %dma_wait3A_589 = arith.constant 0 : i32
    %dma_wait3A_590 = tpu.memref_slice %arg4[%select_n3A_561, %mul3A_579, %dma_wait3A_589] : memref<26x16384x32xf32, #tpu.memory_space<hbm>> -> memref<1x1024x32xf32, #tpu.memory_space<hbm>>
    %dma_wait3A_591 = tpu.memref_squeeze %dma_wait3A_590 : memref<1x1024x32xf32, #tpu.memory_space<hbm>> -> memref<1024x32xf32, #tpu.memory_space<hbm>>
    tpu.wait_dma2 semaphore(%arg10 : memref<!tpu.dma_semaphore, #tpu.memory_space<semaphore_mem>>) src(%arg6 : memref<1024x32xf32, #tpu.memory_space<vmem>>) dst(%dma_wait3A_591 : memref<1024x32xf32, #tpu.memory_space<hbm>>)
    %dma_start3A_592 = arith.constant 10240 : i32
    %dma_start3A_593 = tpu.memref_slice %arg5[%dma_start3A_592] : memref<13312xi32, #tpu.memory_space<vmem>> -> memref<1024xi32, #tpu.memory_space<vmem>>
    %dma_start3A_594 = arith.constant 0 : i32
    %dma_start3A_595 = arith.constant 0 : i32
    %dma_start3A_596 = tpu.memref_slice %arg3[%dma_start3A_594, %dma_start3A_595] : memref<4000000x32xf32, #tpu.memory_space<hbm>> -> memref<4000000x32xf32, #tpu.memory_space<hbm>>
    tpu.enqueue_indirect_dma source(%dma_start3A_596 : memref<4000000x32xf32, #tpu.memory_space<hbm>>) target(%arg6 : memref<1024x32xf32, #tpu.memory_space<vmem>>) offsets(%dma_start3A_593 : memref<1024xi32, #tpu.memory_space<vmem>>) semaphore(%arg8 : memref<!tpu.dma_semaphore, #tpu.memory_space<semaphore_mem>>)
    %dma_wait3A_597 = arith.constant 9216 : i32
    %dma_wait3A_598 = tpu.memref_slice %arg5[%dma_wait3A_597] : memref<13312xi32, #tpu.memory_space<vmem>> -> memref<1024xi32, #tpu.memory_space<vmem>>
    %dma_wait3A_599 = arith.constant 0 : i32
    %dma_wait3A_600 = arith.constant 0 : i32
    %dma_wait3A_601 = tpu.memref_slice %arg3[%dma_wait3A_599, %dma_wait3A_600] : memref<4000000x32xf32, #tpu.memory_space<hbm>> -> memref<4000000x32xf32, #tpu.memory_space<hbm>>
    tpu.wait_indirect_dma semaphore(%arg9 : memref<!tpu.dma_semaphore, #tpu.memory_space<semaphore_mem>>) src(%dma_wait3A_601 : memref<4000000x32xf32, #tpu.memory_space<hbm>>) dst(%arg7 : memref<1024x32xf32, #tpu.memory_space<vmem>>)
    %add3A_602 = arith.constant 9 : i32
    %add3A_603 = arith.addi %mul3A_2, %add3A_602 : i32
    %jit3A_604 = arith.constant 16 : i32
    %div3A_605 = arith.divsi %add3A_603, %jit3A_604 : i32
    %sign3A_606 = arith.constant 0 : i32
    %sign3A_607 = arith.cmpi sgt, %add3A_603, %sign3A_606 : i32
    %sign3A_608 = arith.extui %sign3A_607 : i1 to i32
    %sign3A_609 = arith.constant 0 : i32
    %sign3A_610 = arith.cmpi slt, %add3A_603, %sign3A_609 : i32
    %sign3A_611 = arith.extui %sign3A_610 : i1 to i32
    %sign3A_612 = arith.subi %sign3A_608, %sign3A_611 : i32
    %sign3A_613 = arith.constant 0 : i32
    %sign3A_614 = arith.cmpi sgt, %jit3A_604, %sign3A_613 : i32
    %sign3A_615 = arith.extui %sign3A_614 : i1 to i32
    %sign3A_616 = arith.constant 0 : i32
    %sign3A_617 = arith.cmpi slt, %jit3A_604, %sign3A_616 : i32
    %sign3A_618 = arith.extui %sign3A_617 : i1 to i32
    %sign3A_619 = arith.subi %sign3A_615, %sign3A_618 : i32
    %ne3A_620 = arith.cmpi ne, %sign3A_612, %sign3A_619 : i32
    %rem3A_621 = arith.remsi %add3A_603, %jit3A_604 : i32
    %ne3A_622 = arith.constant 0 : i32
    %ne3A_623 = arith.cmpi ne, %rem3A_621, %ne3A_622 : i32
    %and3A_624 = arith.andi %ne3A_620, %ne3A_623 : i1
    %sub3A_625 = arith.constant 1 : i32
    %sub3A_626 = arith.subi %div3A_605, %sub3A_625 : i32
    %select_n3A_627 = arith.select %and3A_624, %sub3A_626, %div3A_605 : i32
    %jit3A_628 = arith.constant 16 : i32
    %eq3A_629 = arith.constant 0 : i32
    %eq3A_630 = arith.cmpi eq, %jit3A_628, %eq3A_629 : i32
    %jit3A_631 = arith.constant 1 : i32
    %select_n3A_632 = arith.select %eq3A_630, %jit3A_631, %jit3A_628 : i32
    %rem3A_633 = arith.remsi %add3A_603, %select_n3A_632 : i32
    %ne3A_634 = arith.constant 0 : i32
    %ne3A_635 = arith.cmpi ne, %rem3A_633, %ne3A_634 : i32
    %lt3A_636 = arith.constant 0 : i32
    %lt3A_637 = arith.cmpi slt, %rem3A_633, %lt3A_636 : i32
    %lt3A_638 = arith.constant 0 : i32
    %lt3A_639 = arith.cmpi slt, %select_n3A_632, %lt3A_638 : i32
    %ne3A_640 = arith.xori %lt3A_637, %lt3A_639 : i1
    %and3A_641 = arith.andi %ne3A_640, %ne3A_635 : i1
    %add3A_642 = arith.addi %rem3A_633, %select_n3A_632 : i32
    %select_n3A_643 = arith.select %and3A_641, %add3A_642, %rem3A_633 : i32
    %mul3A_644 = arith.constant 1024 : i32
    %mul3A_645 = arith.muli %select_n3A_643, %mul3A_644 : i32
    %dma_start3A_646 = arith.constant 0 : i32
    %dma_start3A_647 = tpu.memref_slice %arg4[%select_n3A_627, %mul3A_645, %dma_start3A_646] : memref<26x16384x32xf32, #tpu.memory_space<hbm>> -> memref<1x1024x32xf32, #tpu.memory_space<hbm>>
    %dma_start3A_648 = tpu.memref_squeeze %dma_start3A_647 : memref<1x1024x32xf32, #tpu.memory_space<hbm>> -> memref<1024x32xf32, #tpu.memory_space<hbm>>
    %dma_start3A_649 = arith.constant 0 : i32
    %dma_start3A_650 = tpu.memref_slice %arg4[%select_n3A_627, %mul3A_645, %dma_start3A_649] : memref<26x16384x32xf32, #tpu.memory_space<hbm>> -> memref<1x1024x32xf32, #tpu.memory_space<hbm>>
    %dma_start3A_651 = tpu.memref_squeeze %dma_start3A_650 : memref<1x1024x32xf32, #tpu.memory_space<hbm>> -> memref<1024x32xf32, #tpu.memory_space<hbm>>
    tpu.enqueue_dma source(%arg7 : memref<1024x32xf32, #tpu.memory_space<vmem>>) target(%dma_start3A_651 : memref<1024x32xf32, #tpu.memory_space<hbm>>) target_semaphore(%arg11 : memref<!tpu.dma_semaphore, #tpu.memory_space<semaphore_mem>>)
    %dma_wait3A_652 = arith.constant 0 : i32
    %dma_wait3A_653 = tpu.memref_slice %arg4[%select_n3A_627, %mul3A_645, %dma_wait3A_652] : memref<26x16384x32xf32, #tpu.memory_space<hbm>> -> memref<1x1024x32xf32, #tpu.memory_space<hbm>>
    %dma_wait3A_654 = tpu.memref_squeeze %dma_wait3A_653 : memref<1x1024x32xf32, #tpu.memory_space<hbm>> -> memref<1024x32xf32, #tpu.memory_space<hbm>>
    %dma_wait3A_655 = arith.constant 0 : i32
    %dma_wait3A_656 = tpu.memref_slice %arg4[%select_n3A_627, %mul3A_645, %dma_wait3A_655] : memref<26x16384x32xf32, #tpu.memory_space<hbm>> -> memref<1x1024x32xf32, #tpu.memory_space<hbm>>
    %dma_wait3A_657 = tpu.memref_squeeze %dma_wait3A_656 : memref<1x1024x32xf32, #tpu.memory_space<hbm>> -> memref<1024x32xf32, #tpu.memory_space<hbm>>
    tpu.wait_dma2 semaphore(%arg11 : memref<!tpu.dma_semaphore, #tpu.memory_space<semaphore_mem>>) src(%arg7 : memref<1024x32xf32, #tpu.memory_space<vmem>>) dst(%dma_wait3A_657 : memref<1024x32xf32, #tpu.memory_space<hbm>>)
    %dma_start3A_658 = arith.constant 11264 : i32
    %dma_start3A_659 = tpu.memref_slice %arg5[%dma_start3A_658] : memref<13312xi32, #tpu.memory_space<vmem>> -> memref<1024xi32, #tpu.memory_space<vmem>>
    %dma_start3A_660 = arith.constant 0 : i32
    %dma_start3A_661 = arith.constant 0 : i32
    %dma_start3A_662 = tpu.memref_slice %arg3[%dma_start3A_660, %dma_start3A_661] : memref<4000000x32xf32, #tpu.memory_space<hbm>> -> memref<4000000x32xf32, #tpu.memory_space<hbm>>
    tpu.enqueue_indirect_dma source(%dma_start3A_662 : memref<4000000x32xf32, #tpu.memory_space<hbm>>) target(%arg7 : memref<1024x32xf32, #tpu.memory_space<vmem>>) offsets(%dma_start3A_659 : memref<1024xi32, #tpu.memory_space<vmem>>) semaphore(%arg9 : memref<!tpu.dma_semaphore, #tpu.memory_space<semaphore_mem>>)
    %dma_wait3A_663 = arith.constant 10240 : i32
    %dma_wait3A_664 = tpu.memref_slice %arg5[%dma_wait3A_663] : memref<13312xi32, #tpu.memory_space<vmem>> -> memref<1024xi32, #tpu.memory_space<vmem>>
    %dma_wait3A_665 = arith.constant 0 : i32
    %dma_wait3A_666 = arith.constant 0 : i32
    %dma_wait3A_667 = tpu.memref_slice %arg3[%dma_wait3A_665, %dma_wait3A_666] : memref<4000000x32xf32, #tpu.memory_space<hbm>> -> memref<4000000x32xf32, #tpu.memory_space<hbm>>
    tpu.wait_indirect_dma semaphore(%arg8 : memref<!tpu.dma_semaphore, #tpu.memory_space<semaphore_mem>>) src(%dma_wait3A_667 : memref<4000000x32xf32, #tpu.memory_space<hbm>>) dst(%arg6 : memref<1024x32xf32, #tpu.memory_space<vmem>>)
    %add3A_668 = arith.constant 10 : i32
    %add3A_669 = arith.addi %mul3A_2, %add3A_668 : i32
    %jit3A_670 = arith.constant 16 : i32
    %div3A_671 = arith.divsi %add3A_669, %jit3A_670 : i32
    %sign3A_672 = arith.constant 0 : i32
    %sign3A_673 = arith.cmpi sgt, %add3A_669, %sign3A_672 : i32
    %sign3A_674 = arith.extui %sign3A_673 : i1 to i32
    %sign3A_675 = arith.constant 0 : i32
    %sign3A_676 = arith.cmpi slt, %add3A_669, %sign3A_675 : i32
    %sign3A_677 = arith.extui %sign3A_676 : i1 to i32
    %sign3A_678 = arith.subi %sign3A_674, %sign3A_677 : i32
    %sign3A_679 = arith.constant 0 : i32
    %sign3A_680 = arith.cmpi sgt, %jit3A_670, %sign3A_679 : i32
    %sign3A_681 = arith.extui %sign3A_680 : i1 to i32
    %sign3A_682 = arith.constant 0 : i32
    %sign3A_683 = arith.cmpi slt, %jit3A_670, %sign3A_682 : i32
    %sign3A_684 = arith.extui %sign3A_683 : i1 to i32
    %sign3A_685 = arith.subi %sign3A_681, %sign3A_684 : i32
    %ne3A_686 = arith.cmpi ne, %sign3A_678, %sign3A_685 : i32
    %rem3A_687 = arith.remsi %add3A_669, %jit3A_670 : i32
    %ne3A_688 = arith.constant 0 : i32
    %ne3A_689 = arith.cmpi ne, %rem3A_687, %ne3A_688 : i32
    %and3A_690 = arith.andi %ne3A_686, %ne3A_689 : i1
    %sub3A_691 = arith.constant 1 : i32
    %sub3A_692 = arith.subi %div3A_671, %sub3A_691 : i32
    %select_n3A_693 = arith.select %and3A_690, %sub3A_692, %div3A_671 : i32
    %jit3A_694 = arith.constant 16 : i32
    %eq3A_695 = arith.constant 0 : i32
    %eq3A_696 = arith.cmpi eq, %jit3A_694, %eq3A_695 : i32
    %jit3A_697 = arith.constant 1 : i32
    %select_n3A_698 = arith.select %eq3A_696, %jit3A_697, %jit3A_694 : i32
    %rem3A_699 = arith.remsi %add3A_669, %select_n3A_698 : i32
    %ne3A_700 = arith.constant 0 : i32
    %ne3A_701 = arith.cmpi ne, %rem3A_699, %ne3A_700 : i32
    %lt3A_702 = arith.constant 0 : i32
    %lt3A_703 = arith.cmpi slt, %rem3A_699, %lt3A_702 : i32
    %lt3A_704 = arith.constant 0 : i32
    %lt3A_705 = arith.cmpi slt, %select_n3A_698, %lt3A_704 : i32
    %ne3A_706 = arith.xori %lt3A_703, %lt3A_705 : i1
    %and3A_707 = arith.andi %ne3A_706, %ne3A_701 : i1
    %add3A_708 = arith.addi %rem3A_699, %select_n3A_698 : i32
    %select_n3A_709 = arith.select %and3A_707, %add3A_708, %rem3A_699 : i32
    %mul3A_710 = arith.constant 1024 : i32
    %mul3A_711 = arith.muli %select_n3A_709, %mul3A_710 : i32
    %dma_start3A_712 = arith.constant 0 : i32
    %dma_start3A_713 = tpu.memref_slice %arg4[%select_n3A_693, %mul3A_711, %dma_start3A_712] : memref<26x16384x32xf32, #tpu.memory_space<hbm>> -> memref<1x1024x32xf32, #tpu.memory_space<hbm>>
    %dma_start3A_714 = tpu.memref_squeeze %dma_start3A_713 : memref<1x1024x32xf32, #tpu.memory_space<hbm>> -> memref<1024x32xf32, #tpu.memory_space<hbm>>
    %dma_start3A_715 = arith.constant 0 : i32
    %dma_start3A_716 = tpu.memref_slice %arg4[%select_n3A_693, %mul3A_711, %dma_start3A_715] : memref<26x16384x32xf32, #tpu.memory_space<hbm>> -> memref<1x1024x32xf32, #tpu.memory_space<hbm>>
    %dma_start3A_717 = tpu.memref_squeeze %dma_start3A_716 : memref<1x1024x32xf32, #tpu.memory_space<hbm>> -> memref<1024x32xf32, #tpu.memory_space<hbm>>
    tpu.enqueue_dma source(%arg6 : memref<1024x32xf32, #tpu.memory_space<vmem>>) target(%dma_start3A_717 : memref<1024x32xf32, #tpu.memory_space<hbm>>) target_semaphore(%arg10 : memref<!tpu.dma_semaphore, #tpu.memory_space<semaphore_mem>>)
    %dma_wait3A_718 = arith.constant 0 : i32
    %dma_wait3A_719 = tpu.memref_slice %arg4[%select_n3A_693, %mul3A_711, %dma_wait3A_718] : memref<26x16384x32xf32, #tpu.memory_space<hbm>> -> memref<1x1024x32xf32, #tpu.memory_space<hbm>>
    %dma_wait3A_720 = tpu.memref_squeeze %dma_wait3A_719 : memref<1x1024x32xf32, #tpu.memory_space<hbm>> -> memref<1024x32xf32, #tpu.memory_space<hbm>>
    %dma_wait3A_721 = arith.constant 0 : i32
    %dma_wait3A_722 = tpu.memref_slice %arg4[%select_n3A_693, %mul3A_711, %dma_wait3A_721] : memref<26x16384x32xf32, #tpu.memory_space<hbm>> -> memref<1x1024x32xf32, #tpu.memory_space<hbm>>
    %dma_wait3A_723 = tpu.memref_squeeze %dma_wait3A_722 : memref<1x1024x32xf32, #tpu.memory_space<hbm>> -> memref<1024x32xf32, #tpu.memory_space<hbm>>
    tpu.wait_dma2 semaphore(%arg10 : memref<!tpu.dma_semaphore, #tpu.memory_space<semaphore_mem>>) src(%arg6 : memref<1024x32xf32, #tpu.memory_space<vmem>>) dst(%dma_wait3A_723 : memref<1024x32xf32, #tpu.memory_space<hbm>>)
    %dma_start3A_724 = arith.constant 12288 : i32
    %dma_start3A_725 = tpu.memref_slice %arg5[%dma_start3A_724] : memref<13312xi32, #tpu.memory_space<vmem>> -> memref<1024xi32, #tpu.memory_space<vmem>>
    %dma_start3A_726 = arith.constant 0 : i32
    %dma_start3A_727 = arith.constant 0 : i32
    %dma_start3A_728 = tpu.memref_slice %arg3[%dma_start3A_726, %dma_start3A_727] : memref<4000000x32xf32, #tpu.memory_space<hbm>> -> memref<4000000x32xf32, #tpu.memory_space<hbm>>
    tpu.enqueue_indirect_dma source(%dma_start3A_728 : memref<4000000x32xf32, #tpu.memory_space<hbm>>) target(%arg6 : memref<1024x32xf32, #tpu.memory_space<vmem>>) offsets(%dma_start3A_725 : memref<1024xi32, #tpu.memory_space<vmem>>) semaphore(%arg8 : memref<!tpu.dma_semaphore, #tpu.memory_space<semaphore_mem>>)
    %dma_wait3A_729 = arith.constant 11264 : i32
    %dma_wait3A_730 = tpu.memref_slice %arg5[%dma_wait3A_729] : memref<13312xi32, #tpu.memory_space<vmem>> -> memref<1024xi32, #tpu.memory_space<vmem>>
    %dma_wait3A_731 = arith.constant 0 : i32
    %dma_wait3A_732 = arith.constant 0 : i32
    %dma_wait3A_733 = tpu.memref_slice %arg3[%dma_wait3A_731, %dma_wait3A_732] : memref<4000000x32xf32, #tpu.memory_space<hbm>> -> memref<4000000x32xf32, #tpu.memory_space<hbm>>
    tpu.wait_indirect_dma semaphore(%arg9 : memref<!tpu.dma_semaphore, #tpu.memory_space<semaphore_mem>>) src(%dma_wait3A_733 : memref<4000000x32xf32, #tpu.memory_space<hbm>>) dst(%arg7 : memref<1024x32xf32, #tpu.memory_space<vmem>>)
    %add3A_734 = arith.constant 11 : i32
    %add3A_735 = arith.addi %mul3A_2, %add3A_734 : i32
    %jit3A_736 = arith.constant 16 : i32
    %div3A_737 = arith.divsi %add3A_735, %jit3A_736 : i32
    %sign3A_738 = arith.constant 0 : i32
    %sign3A_739 = arith.cmpi sgt, %add3A_735, %sign3A_738 : i32
    %sign3A_740 = arith.extui %sign3A_739 : i1 to i32
    %sign3A_741 = arith.constant 0 : i32
    %sign3A_742 = arith.cmpi slt, %add3A_735, %sign3A_741 : i32
    %sign3A_743 = arith.extui %sign3A_742 : i1 to i32
    %sign3A_744 = arith.subi %sign3A_740, %sign3A_743 : i32
    %sign3A_745 = arith.constant 0 : i32
    %sign3A_746 = arith.cmpi sgt, %jit3A_736, %sign3A_745 : i32
    %sign3A_747 = arith.extui %sign3A_746 : i1 to i32
    %sign3A_748 = arith.constant 0 : i32
    %sign3A_749 = arith.cmpi slt, %jit3A_736, %sign3A_748 : i32
    %sign3A_750 = arith.extui %sign3A_749 : i1 to i32
    %sign3A_751 = arith.subi %sign3A_747, %sign3A_750 : i32
    %ne3A_752 = arith.cmpi ne, %sign3A_744, %sign3A_751 : i32
    %rem3A_753 = arith.remsi %add3A_735, %jit3A_736 : i32
    %ne3A_754 = arith.constant 0 : i32
    %ne3A_755 = arith.cmpi ne, %rem3A_753, %ne3A_754 : i32
    %and3A_756 = arith.andi %ne3A_752, %ne3A_755 : i1
    %sub3A_757 = arith.constant 1 : i32
    %sub3A_758 = arith.subi %div3A_737, %sub3A_757 : i32
    %select_n3A_759 = arith.select %and3A_756, %sub3A_758, %div3A_737 : i32
    %jit3A_760 = arith.constant 16 : i32
    %eq3A_761 = arith.constant 0 : i32
    %eq3A_762 = arith.cmpi eq, %jit3A_760, %eq3A_761 : i32
    %jit3A_763 = arith.constant 1 : i32
    %select_n3A_764 = arith.select %eq3A_762, %jit3A_763, %jit3A_760 : i32
    %rem3A_765 = arith.remsi %add3A_735, %select_n3A_764 : i32
    %ne3A_766 = arith.constant 0 : i32
    %ne3A_767 = arith.cmpi ne, %rem3A_765, %ne3A_766 : i32
    %lt3A_768 = arith.constant 0 : i32
    %lt3A_769 = arith.cmpi slt, %rem3A_765, %lt3A_768 : i32
    %lt3A_770 = arith.constant 0 : i32
    %lt3A_771 = arith.cmpi slt, %select_n3A_764, %lt3A_770 : i32
    %ne3A_772 = arith.xori %lt3A_769, %lt3A_771 : i1
    %and3A_773 = arith.andi %ne3A_772, %ne3A_767 : i1
    %add3A_774 = arith.addi %rem3A_765, %select_n3A_764 : i32
    %select_n3A_775 = arith.select %and3A_773, %add3A_774, %rem3A_765 : i32
    %mul3A_776 = arith.constant 1024 : i32
    %mul3A_777 = arith.muli %select_n3A_775, %mul3A_776 : i32
    %dma_start3A_778 = arith.constant 0 : i32
    %dma_start3A_779 = tpu.memref_slice %arg4[%select_n3A_759, %mul3A_777, %dma_start3A_778] : memref<26x16384x32xf32, #tpu.memory_space<hbm>> -> memref<1x1024x32xf32, #tpu.memory_space<hbm>>
    %dma_start3A_780 = tpu.memref_squeeze %dma_start3A_779 : memref<1x1024x32xf32, #tpu.memory_space<hbm>> -> memref<1024x32xf32, #tpu.memory_space<hbm>>
    %dma_start3A_781 = arith.constant 0 : i32
    %dma_start3A_782 = tpu.memref_slice %arg4[%select_n3A_759, %mul3A_777, %dma_start3A_781] : memref<26x16384x32xf32, #tpu.memory_space<hbm>> -> memref<1x1024x32xf32, #tpu.memory_space<hbm>>
    %dma_start3A_783 = tpu.memref_squeeze %dma_start3A_782 : memref<1x1024x32xf32, #tpu.memory_space<hbm>> -> memref<1024x32xf32, #tpu.memory_space<hbm>>
    tpu.enqueue_dma source(%arg7 : memref<1024x32xf32, #tpu.memory_space<vmem>>) target(%dma_start3A_783 : memref<1024x32xf32, #tpu.memory_space<hbm>>) target_semaphore(%arg11 : memref<!tpu.dma_semaphore, #tpu.memory_space<semaphore_mem>>)
    %dma_wait3A_784 = arith.constant 12288 : i32
    %dma_wait3A_785 = tpu.memref_slice %arg5[%dma_wait3A_784] : memref<13312xi32, #tpu.memory_space<vmem>> -> memref<1024xi32, #tpu.memory_space<vmem>>
    %dma_wait3A_786 = arith.constant 0 : i32
    %dma_wait3A_787 = arith.constant 0 : i32
    %dma_wait3A_788 = tpu.memref_slice %arg3[%dma_wait3A_786, %dma_wait3A_787] : memref<4000000x32xf32, #tpu.memory_space<hbm>> -> memref<4000000x32xf32, #tpu.memory_space<hbm>>
    tpu.wait_indirect_dma semaphore(%arg8 : memref<!tpu.dma_semaphore, #tpu.memory_space<semaphore_mem>>) src(%dma_wait3A_788 : memref<4000000x32xf32, #tpu.memory_space<hbm>>) dst(%arg6 : memref<1024x32xf32, #tpu.memory_space<vmem>>)
    %add3A_789 = arith.constant 12 : i32
    %add3A_790 = arith.addi %mul3A_2, %add3A_789 : i32
    %jit3A_791 = arith.constant 16 : i32
    %div3A_792 = arith.divsi %add3A_790, %jit3A_791 : i32
    %sign3A_793 = arith.constant 0 : i32
    %sign3A_794 = arith.cmpi sgt, %add3A_790, %sign3A_793 : i32
    %sign3A_795 = arith.extui %sign3A_794 : i1 to i32
    %sign3A_796 = arith.constant 0 : i32
    %sign3A_797 = arith.cmpi slt, %add3A_790, %sign3A_796 : i32
    %sign3A_798 = arith.extui %sign3A_797 : i1 to i32
    %sign3A_799 = arith.subi %sign3A_795, %sign3A_798 : i32
    %sign3A_800 = arith.constant 0 : i32
    %sign3A_801 = arith.cmpi sgt, %jit3A_791, %sign3A_800 : i32
    %sign3A_802 = arith.extui %sign3A_801 : i1 to i32
    %sign3A_803 = arith.constant 0 : i32
    %sign3A_804 = arith.cmpi slt, %jit3A_791, %sign3A_803 : i32
    %sign3A_805 = arith.extui %sign3A_804 : i1 to i32
    %sign3A_806 = arith.subi %sign3A_802, %sign3A_805 : i32
    %ne3A_807 = arith.cmpi ne, %sign3A_799, %sign3A_806 : i32
    %rem3A_808 = arith.remsi %add3A_790, %jit3A_791 : i32
    %ne3A_809 = arith.constant 0 : i32
    %ne3A_810 = arith.cmpi ne, %rem3A_808, %ne3A_809 : i32
    %and3A_811 = arith.andi %ne3A_807, %ne3A_810 : i1
    %sub3A_812 = arith.constant 1 : i32
    %sub3A_813 = arith.subi %div3A_792, %sub3A_812 : i32
    %select_n3A_814 = arith.select %and3A_811, %sub3A_813, %div3A_792 : i32
    %jit3A_815 = arith.constant 16 : i32
    %eq3A_816 = arith.constant 0 : i32
    %eq3A_817 = arith.cmpi eq, %jit3A_815, %eq3A_816 : i32
    %jit3A_818 = arith.constant 1 : i32
    %select_n3A_819 = arith.select %eq3A_817, %jit3A_818, %jit3A_815 : i32
    %rem3A_820 = arith.remsi %add3A_790, %select_n3A_819 : i32
    %ne3A_821 = arith.constant 0 : i32
    %ne3A_822 = arith.cmpi ne, %rem3A_820, %ne3A_821 : i32
    %lt3A_823 = arith.constant 0 : i32
    %lt3A_824 = arith.cmpi slt, %rem3A_820, %lt3A_823 : i32
    %lt3A_825 = arith.constant 0 : i32
    %lt3A_826 = arith.cmpi slt, %select_n3A_819, %lt3A_825 : i32
    %ne3A_827 = arith.xori %lt3A_824, %lt3A_826 : i1
    %and3A_828 = arith.andi %ne3A_827, %ne3A_822 : i1
    %add3A_829 = arith.addi %rem3A_820, %select_n3A_819 : i32
    %select_n3A_830 = arith.select %and3A_828, %add3A_829, %rem3A_820 : i32
    %mul3A_831 = arith.constant 1024 : i32
    %mul3A_832 = arith.muli %select_n3A_830, %mul3A_831 : i32
    %dma_start3A_833 = arith.constant 0 : i32
    %dma_start3A_834 = tpu.memref_slice %arg4[%select_n3A_814, %mul3A_832, %dma_start3A_833] : memref<26x16384x32xf32, #tpu.memory_space<hbm>> -> memref<1x1024x32xf32, #tpu.memory_space<hbm>>
    %dma_start3A_835 = tpu.memref_squeeze %dma_start3A_834 : memref<1x1024x32xf32, #tpu.memory_space<hbm>> -> memref<1024x32xf32, #tpu.memory_space<hbm>>
    %dma_start3A_836 = arith.constant 0 : i32
    %dma_start3A_837 = tpu.memref_slice %arg4[%select_n3A_814, %mul3A_832, %dma_start3A_836] : memref<26x16384x32xf32, #tpu.memory_space<hbm>> -> memref<1x1024x32xf32, #tpu.memory_space<hbm>>
    %dma_start3A_838 = tpu.memref_squeeze %dma_start3A_837 : memref<1x1024x32xf32, #tpu.memory_space<hbm>> -> memref<1024x32xf32, #tpu.memory_space<hbm>>
    tpu.enqueue_dma source(%arg6 : memref<1024x32xf32, #tpu.memory_space<vmem>>) target(%dma_start3A_838 : memref<1024x32xf32, #tpu.memory_space<hbm>>) target_semaphore(%arg10 : memref<!tpu.dma_semaphore, #tpu.memory_space<semaphore_mem>>)
    %dma_wait3A_839 = arith.constant 0 : i32
    %dma_wait3A_840 = tpu.memref_slice %arg4[%select_n3A_759, %mul3A_777, %dma_wait3A_839] : memref<26x16384x32xf32, #tpu.memory_space<hbm>> -> memref<1x1024x32xf32, #tpu.memory_space<hbm>>
    %dma_wait3A_841 = tpu.memref_squeeze %dma_wait3A_840 : memref<1x1024x32xf32, #tpu.memory_space<hbm>> -> memref<1024x32xf32, #tpu.memory_space<hbm>>
    %dma_wait3A_842 = arith.constant 0 : i32
    %dma_wait3A_843 = tpu.memref_slice %arg4[%select_n3A_759, %mul3A_777, %dma_wait3A_842] : memref<26x16384x32xf32, #tpu.memory_space<hbm>> -> memref<1x1024x32xf32, #tpu.memory_space<hbm>>
    %dma_wait3A_844 = tpu.memref_squeeze %dma_wait3A_843 : memref<1x1024x32xf32, #tpu.memory_space<hbm>> -> memref<1024x32xf32, #tpu.memory_space<hbm>>
    tpu.wait_dma2 semaphore(%arg11 : memref<!tpu.dma_semaphore, #tpu.memory_space<semaphore_mem>>) src(%arg7 : memref<1024x32xf32, #tpu.memory_space<vmem>>) dst(%dma_wait3A_844 : memref<1024x32xf32, #tpu.memory_space<hbm>>)
    %dma_wait3A_845 = arith.constant 0 : i32
    %dma_wait3A_846 = tpu.memref_slice %arg4[%select_n3A_814, %mul3A_832, %dma_wait3A_845] : memref<26x16384x32xf32, #tpu.memory_space<hbm>> -> memref<1x1024x32xf32, #tpu.memory_space<hbm>>
    %dma_wait3A_847 = tpu.memref_squeeze %dma_wait3A_846 : memref<1x1024x32xf32, #tpu.memory_space<hbm>> -> memref<1024x32xf32, #tpu.memory_space<hbm>>
    %dma_wait3A_848 = arith.constant 0 : i32
    %dma_wait3A_849 = tpu.memref_slice %arg4[%select_n3A_814, %mul3A_832, %dma_wait3A_848] : memref<26x16384x32xf32, #tpu.memory_space<hbm>> -> memref<1x1024x32xf32, #tpu.memory_space<hbm>>
    %dma_wait3A_850 = tpu.memref_squeeze %dma_wait3A_849 : memref<1x1024x32xf32, #tpu.memory_space<hbm>> -> memref<1024x32xf32, #tpu.memory_space<hbm>>
    tpu.wait_dma2 semaphore(%arg10 : memref<!tpu.dma_semaphore, #tpu.memory_space<semaphore_mem>>) src(%arg6 : memref<1024x32xf32, #tpu.memory_space<vmem>>) dst(%dma_wait3A_850 : memref<1024x32xf32, #tpu.memory_space<hbm>>)
    return
  }
}

</mosaic_0001>

<sc_bundles>
// kernel: _gather_rows.3.cloned.1.call-start
scs
__scs_entry_jumppad:
0x0: {  	(pc) =	sbr.rel $0x88, $3  }
0x1: {  	(tag) =	ssettag $0x0;
	lr =	simm.s32 $0x1  }
0x2: {  	[smem:$0x3F9F] =	sst lr;
	_ =	strace $0xD0000000  }
0x3: {  	_ = 	snop  }
0x4: {  	_ = 	snop  }
0x5: {  	_ = 	snop  }
0x6: {  	_ = 	snop  }
0x7: {  	_ = 	snop  }
__scs_overlays_trampoline_lowered:
0x8: {  	[smem:$0x3FAE] =	sst s0  }
0x9: {  	[smem:$0x3FAF] =	sst s1  }
0xa: {  	[smem:$0x3FB0] =	sst s2  }
0xb: {  	[smem:$0x3FB1] =	sst s3  }
0xc: {  	[smem:$0x3FB2] =	sst s4  }
0xd: {  	[smem:$0x3FB3] =	sst s5  }
0xe: {  	[smem:$0x3FB4] =	sst s6  }
0xf: {  	[smem:$0x3FB5] =	sst s7  }
0x10: {  	[smem:$0x3FB6] =	sst s8  }
0x11: {  	[smem:$0x3FB7] =	sst s9;
	s0 =	simm.s32 @!p0 $0x0  }
0x12: {  	s1 =	sld [smem:$0x3F9D];
	s0 =	simm.s32 @p0 $0x1  }
0x13: {  	[smem:$0x3FB8] =	sst s0;
	s0 =	simm.s32 @!p1 $0x0  }
0x14: {  	s2 =	sld [smem:$0x3F9C];
	s0 =	simm.s32 @p1 $0x1  }
0x15: {  	[smem:$0x3FB9] =	sst s0;
	s0 =	simm.s32 @!p2 $0x0  }
0x16: {  	s3 =	sld [smem:$0x3FDB];
	s0 =	simm.s32 @p2 $0x1  }
0x17: {  	s4 =	simm.s32 $0x1BF5;
	[smem:$0x3FBB] =	sst s0  }
0x18: {  	s0 =	sld [smem:$0x3F9E];
	_ =	swait.ge [sflag:s4], $0x0  }
0x19: {  	s7 =	sld [smem:$0x3F9F]  }
0x1a: {  	s8 =	sadd.s32 $0xFFFFE003, lr  }
0x1b: {  	s9 =	sadd.s32 $0xFFFFFEF7, lr;
	s5 =	simm.s32 $0xFFFFFFFF;
	p2 =	slt.u32 s8, $0xFFFFF086  }
0x1c: {  	p1 =	slt.u32 s9, $0xF7A;
	s5 =	simm.s32 @!p2 $0x0  }
0x1d: {  	s5 =	simm.s32 @p1 $0x1;
	p0 =	seq.s32 s7, s2  }
0x1e: {  	s7 =	smul.u32 @!p0 $0xF7A, s2;
	p2 =	seq.s32 @!p0 s5, $0x0  }
0x1f: {  	s9 =	smul.u32 $0xF7A, s1;
	s8 =	simm.s32 @!p0 $0x1BF5;
	p2 =	por !p2, p0  }
0x20: {  	[sflag:s8] =	ssyncset.s32 @!p0 $0xFFFFF086;
	s6 =	sadd.s32 @!p0 s3, s7;
	s7 =	simm.s32 @!p0 $0x108  }
0x21: {  	s3 =	sadd.s32 s3, s9;
	s6 =	sadd.s32 @!p0 $0x88, s6;
	s7 =	simm.s32 @p2 $0x1082  }
0x22: {  	[simem:s7], [sflag:s8] =	dma.local @!p0 [hbm:s6], $0xF7A  }
0x23: {  	s9 =	sor.u32 $0xD0000000, s2;
	s6 =	simm.s32 $0x108;
	_ =	swait.ge @!p0 [sflag:s8], $0x0  }
0x24: {  	s3 =	sadd.s32 $0x88, s3;
	s6 =	simm.s32 @!p1 $0x1082;
	[sflag:s4] =	ssyncset.s32 $0xFFFFF086  }
0x25: {  	[simem:s6], [sflag:s4] =	dma.local [hbm:s3], $0xF7A  }
0x26: {  	[smem:$0x3F9F] =	sst s1;
	(tag) =	ssettag s2;
	_ =	strace s9  }
0x27: {  	s1 =	sld [smem:$0x3FAF]  }
0x28: {  	s2 =	sld [smem:$0x3FB0]  }
0x29: {  	s4 =	sld [smem:$0x3FB2]  }
0x2a: {  	p0 =	seq.s32 s5, $0x0;
	s5 =	sld [smem:$0x3FB3]  }
0x2b: {  	s6 =	sld [smem:$0x3FB4]  }
0x2c: {  	s7 =	sld [smem:$0x3FB5]  }
0x2d: {  	s3 =	simm.s32 $0x108;
	s8 =	sld [smem:$0x3FB6]  }
0x2e: {  	s3 =	simm.s32 @!p0 $0x1082;
	s9 =	sld [smem:$0x3FB7]  }
0x2f: {  	lr =	sadd.s32 s0, s3;
	s0 =	sld [smem:$0x3FAE]  }
0x30: {  	s3 =	sld [smem:$0x3FB1]  }
0x31: {  	[smem:$0x3FBA] =	sst s10  }
0x32: {  	s10 =	sld [smem:$0x3FB8];
	_ =	sdelay $0x3  }
0x33: {  	p0 =	seq.s32 s10, $0x1;
	s10 =	sld [smem:$0x3FBA];
	_ =	sdelay $0x3  }
0x34: {  	[smem:$0x3FBA] =	sst s10  }
0x35: {  	s10 =	sld [smem:$0x3FB9];
	_ =	sdelay $0x3  }
0x36: {  	p1 =	seq.s32 s10, $0x1;
	s10 =	sld [smem:$0x3FBA];
	_ =	sdelay $0x3  }
0x37: {  	[smem:$0x3FBA] =	sst s10  }
0x38: {  	s10 =	sld [smem:$0x3FBB]  }
0x39: {  	_ = 	snop;
	(pc) =	sbr.ind lr, $3  }
0x3a: {  	_ = 	snop  }
0x3b: {  	_ = 	snop  }
0x3c: {  	p2 =	seq.s32 s10, $0x1;
	s10 =	sld [smem:$0x3FBA]  }
0x3d: {  	_ =	shalt  }
0x3e: {  	_ =	shalt  }
0x3f: {  	_ =	shalt  }
0x40: {  	_ =	shalt  }
0x41: {  	_ =	shalt  }
0x42: {  	_ =	shalt  }
0x43: {  	_ =	shalt  }
0x44: {  	_ =	shalt  }
0x45: {  	_ =	shalt  }
0x46: {  	_ =	shalt  }
0x47: {  	_ =	shalt  }
0x48: {  	_ =	shalt  }
0x49: {  	_ =	shalt  }
0x4a: {  	_ =	shalt  }
0x4b: {  	_ =	shalt  }
0x4c: {  	_ =	shalt  }
0x4d: {  	_ =	shalt  }
0x4e: {  	_ =	shalt  }
0x4f: {  	_ =	shalt  }
0x50: {  	_ =	shalt  }
0x51: {  	_ =	shalt  }
0x52: {  	_ =	shalt  }
0x53: {  	_ =	shalt  }
0x54: {  	_ =	shalt  }
0x55: {  	_ =	shalt  }
0x56: {  	_ =	shalt  }
0x57: {  	_ =	shalt  }
0x58: {  	_ =	shalt  }
0x59: {  	_ =	shalt  }
0x5a: {  	_ =	shalt  }
0x5b: {  	_ =	shalt  }
0x5c: {  	_ =	shalt  }
0x5d: {  	_ =	shalt  }
0x5e: {  	_ =	shalt  }
0x5f: {  	_ =	shalt  }
0x60: {  	_ =	shalt  }
0x61: {  	_ =	shalt  }
0x62: {  	_ =	shalt  }
0x63: {  	_ =	shalt  }
0x64: {  	_ =	shalt  }
0x65: {  	_ =	shalt  }
0x66: {  	_ =	shalt  }
0x67: {  	_ =	shalt  }
0x68: {  	_ =	shalt  }
0x69: {  	_ =	shalt  }
0x6a: {  	_ =	shalt  }
0x6b: {  	_ =	shalt  }
0x6c: {  	_ =	shalt  }
0x6d: {  	_ =	shalt  }
0x6e: {  	_ =	shalt  }
0x6f: {  	_ =	shalt  }
0x70: {  	_ =	shalt  }
0x71: {  	_ =	shalt  }
0x72: {  	_ =	shalt  }
0x73: {  	_ =	shalt  }
0x74: {  	_ =	shalt  }
0x75: {  	_ =	shalt  }
0x76: {  	_ =	shalt  }
0x77: {  	_ =	shalt  }
0x78: {  	_ =	shalt  }
0x79: {  	_ =	shalt  }
0x7a: {  	_ =	shalt  }
0x7b: {  	_ =	shalt  }
0x7c: {  	_ =	shalt  }
0x7d: {  	_ =	shalt  }
0x7e: {  	_ =	shalt  }
0x7f: {  	_ =	shalt  }
0x80: {  	_ =	shalt  }
0x81: {  	_ =	shalt  }
0x82: {  	_ =	shalt  }
0x83: {  	_ =	shalt  }
0x84: {  	_ =	shalt  }
0x85: {  	_ =	shalt  }
0x86: {  	_ =	shalt  }
0x87: {  	_ =	shalt  }
.Lfunc_end0:
.L_simem_size_0:
called_computation.1_lowered:
.L_overlay_start_0:
0x88: {  	s2 =	sld [smem:$0x3FD9]  }
0x89: {  	s3 =	sld [smem:$0x3FFE];
	_ =	sdelay $0x1  }
0x8a: {  	s1 =	srdreg.scid  }
0x8b: {  	s0 =	sand.u32 $0x1, s1  }
0x8c: {  	s17 =	sshll.u32 s0, $0xA;
	s2 =	sadd.s32 s3, s2  }
0x8d: {  	s2 =	sadd.s32 s2, s17  }
0x8e: {  	[smem:$0x3FC6] =	sst s2  }
0x8f: {  	_ = 	snop  }
0x90: {  	s2 =	sld [smem:$0x3FC9]  }
0x91: {  	s18 =	sld [smem:$0x3FD0];
	(tm) =	ssettm $0x1  }
0x92: {  	s4 =	sld [smem:$0x3FFB];
	_ =	sdelay $0x3  }
0x93: {  	_ =	strace s4  }
0x94: {  	s4 =	sld [smem:$0x3FFC];
	_ =	sdelay $0x3  }
0x95: {  	_ =	strace s4  }
0x96: {  	s4 =	sld [smem:$0x3FFD];
	_ =	sdelay $0x3  }
0x97: {  	_ =	strace s4  }
0x98: {  	_ =	strace $0x8FFFFFFF  }
0x99: {  	s19 =	sld [smem:$0x3FDB];
	_ =	sdelay $0x1  }
0x9a: {  	s5 =	simm.s32 $_scs_section_size  }
0x9b: {  	s6 =	simm.s32 $_size__tile_overlayer_lowered;
	s7 =	simm.s32 $_tile_overlayer_lowered  }
0x9c: {  	s22 =	simm.s32 $0x1BFF;
	s21 =	sshll.u32 s7, $0x1;
	s4 =	sadd.s32 s5, s19  }
0x9d: {  	s8 =	simm.s32 $0x0;
	s20 =	sshll.u32 s6, $0x1;
	s6 =	sadd.s32 s21, s4  }
0x9e: {  	[timem:s8], [sflag:s22] =	dma.local [hbm:s6], s20  }
0x9f: {  	_ =	swait.ge [sflag:s22], s20  }
0xa0: {  	s5 =	ssub.s32 $0x0, s20;
	[sflag:s22] =	ssyncset.done $0x0  }
0xa1: {  	[sflag:s22] =	ssyncadd.s32 s5;
	_ =	sdelay $0x1  }
0xa2: {  	s23 =	simm.s32 $0x1B8B  }
0xa3: {  	_ =	swait.ge [sflag:s23], $0x1  }
0xa4: {  	[sflag:s23] =	ssyncset.done $0x0  }
0xa5: {  	s25 =	simm.s32 $0x1B8E;
	s24 =	sld [smem:$0x3FFE];
	[sflag:s23] =	ssyncadd.s32 $0xFFFFFFFF  }
0xa6: {  	s26 =	simm.s32 $execute0_lowered;
	[smem:$0x3FD2] =	sst s25  }
0xa7: {  	s6 =	sshll.u32 s26, $0x1;
	_ =	strace $0x80000046;
	[dreg:$0x1] =	wrdreg $0xFFFFFFFF  }
0xa8: {  	s28 =	simm.s32 $_size_execute0_lowered;
	s4 =	sadd.s32 s4, s6;
	[dreg:$0x0] =	wrdreg $0x0  }
0xa9: {  	s6 =	sshll.u32 s28, $0x1;
	[dreg:$0x2] =	wrdreg s4  }
0xaa: {  	[dreg:$0x3] =	wrdreg s6  }
0xab: {  	[dreg:$0x4] =	wrdreg $0xC0  }
0xac: {  	_ =	task [dreg:s8], $0x5FFFF  }
0xad: {  	[dreg:$0x1] =	wrdreg $0xFFFFFFFF  }
0xae: {  	[dreg:$0x0] =	wrdreg $0x60  }
0xaf: {  	[dreg:$0x2] =	wrdreg s2  }
0xb0: {  	[dreg:$0x3] =	wrdreg s24  }
0xb1: {  	[dreg:$0x4] =	wrdreg s18  }
0xb2: {  	[dreg:$0x5] =	wrdreg $0x9  }
0xb3: {  	_ =	task.clear_ibuf [dreg:s8], $0x6FFFF;
	_ =	strace $0x90000046  }
0xb4: {  	s29 =	simm.s32 $0x9;
	_ =	strace $0x80000048  }
0xb5: {  	_ =	swait.ge [sflag:s29], $0x1  }
0xb6: {  	[sflag:s29] =	ssyncadd.s32 $0xFFFFFFFF  }
0xb7: {  	_ =	strace $0x90000048  }
0xb8: {  	_ =	sfence  }
0xb9: {  	s30 =	sld [smem:$0x0];
	_ =	sdelay $0x2  }
0xba: {  	s31 =	sshll.u32 s1, $0xD;
	s1 =	sshrl.u32 s1, $0x2  }
0xbb: {  	s3 =	sand.u32 $0x4000, s31;
	s1 =	sadd.s32 s1, s30  }
0xbc: {  	s0 =	sor.u32 s3, s0;
	s1 =	sshll.u32 s1, $0x11  }
0xbd: {  	s0 =	sor.u32 s1, s0  }
0xbe: {  	s0 =	sadd.s32 $0x8F2B, s0  }
0xbf: {  	[sflag:s0] =	ssyncadd.remote.s32 $0x1  }
0xc0: {  	_ =	sfence.sel $0xFFFF  }
0xc1: {  	[dreg:$0x0] =	wrdreg $0xFFFFFFFF;
	(pc) =	sbr.abs _section_cstart, $3  }
0xc2: {  	[dreg:$0x1] =	wrdreg $0xFFFFFFFF  }
0xc3: {  	_ =	task.clear_ibuf [dreg:s8], $0x2FFFF;
	_ =	strace $0x9FFFFFFF  }
0xc4: {  	(tm) =	ssettm $0x7FFFFFFF  }
0xc5: {  	_ =	shalt  }
tec
execute0_lowered:
.L_overlay_start_1:
0x0: {  	(tag) =	ssettag $0x1  }
0x1: {  	s1 =	srdreg.scid;
	s0 =	stileid.u32  }
0x2: {  	s1 =	sand.u32 $0x1, s1;
	s2 =	sshll.u32 s0, $0x1  }
0x3: {  	s5 =	sor.u32 s1, s2  }
0x4: {  	s3 =	rddreg [dreg:$0x0];
	s7 =	smul.u32 $0x680, s5  }
0x5: {  	s4 =	rddreg [dreg:$0x1];
	s2 =	simm.s32 $0x0;
	s8 =	smul.u32 $0x68000, s5  }
0x6: {  	[smem:$0x7FF] =	sst s2;
	s5 =	smul.u32 $0xD000, s5  }
0x7: {  	s6 =	rddreg [dreg:$0x2];
	_ =	strace $0x80000047;
	s3 =	sadd.s32 s3, s7  }
0x8: {  	s20 =	sshrl.u32 s8, $0x3;
	s21 =	sadd.s32 s6, s5;
	[dreg:$0x4] =	wrdreg s3  }
0x9: {  	s31 =	sadd.s32 s6, s20;
	[dreg:$0x5] =	wrdreg s21  }
0xa: {  	s22 =	sadd.s32 $0x1000, s31;
	s25 =	rddreg [dreg:$0x4]  }
0xb: {  	s23 =	sadd.s32 $0x2000, s31;
	[dreg:$0x6] =	wrdreg s22  }
0xc: {  	s24 =	sadd.s32 $0x3000, s31;
	[dreg:$0x7] =	wrdreg s23  }
0xd: {  	s26 =	sadd.s32 $0x4000, s31;
	[dreg:$0x8] =	wrdreg s24  }
0xe: {  	s3 =	simm.s32 $0x5;
	[dreg:$0x9] =	wrdreg s26  }
0xf: {  	[tilespmem:s2], [sflag:$0x5] =	stream.linear.gather [hbm4b:s25+s2], $0x3400, $0x38;
	[tilespmem:$0x13400] =	vst v63  }
0x10: {  	_ =	swait.ge [sflag:s3], $0x3400  }
0x11: {  	s4 =	sadd.s32 $0x3D09800, s4;
	[sflag:s3] =	ssyncset.done $0x0  }
0x12: {  	s5 =	simm.s32 $0x400;
	s6 =	simm.s32 $0x3400;
	[sflag:s3] =	ssyncadd.s32 $0xFFFFCC00  }
0x13: {  	[tilespmem:s6], [sflag:$0x1] =	stream.indirect.gather [hbm4b:s4+s5], $0x20, s2, s5, $0xb8;
	[tilespmem:$0x13400] =	vst v63  }
0x14: {  	s7 =	simm.s32 $0xB400;
	s8 =	simm.s32 $0x1  }
0x15: {  	[tilespmem:s7], [sflag:$0x2] =	stream.indirect.gather [hbm4b:s4+s5], $0x20, s5, s5, $0xb8;
	[tilespmem:$0x13400] =	vst v63  }
0x16: {  	_ =	swait.ge [sflag:s8], $0x8000  }
0x17: {  	[sflag:s8] =	ssyncset.done $0x0  }
0x18: {  	s9 =	simm.s32 $0x3;
	s10 =	rddreg [dreg:$0x5];
	[sflag:s8] =	ssyncadd.s32 $0xFFFF8000  }
0x19: {  	[hbm4b:s10+s2] =	stream.linear.scatter [tilespmem:s6], [sflag:$0x3], $0x8000, $0x38;
	[tilespmem:$0x13400] =	vst v63  }
0x1a: {  	_ =	swait.ge [sflag:s9], $0x8000  }
0x1b: {  	[sflag:s9] =	ssyncset.done $0x0  }
0x1c: {  	s11 =	simm.s32 $0x2;
	s10 =	simm.s32 $0x800;
	[sflag:s9] =	ssyncadd.s32 $0xFFFF8000  }
0x1d: {  	[tilespmem:s6], [sflag:$0x1] =	stream.indirect.gather [hbm4b:s4+s5], $0x20, s10, s5, $0xb8;
	[tilespmem:$0x13400] =	vst v63  }
0x1e: {  	_ =	swait.ge [sflag:s11], $0x8000  }
0x1f: {  	[sflag:s11] =	ssyncset.done $0x0  }
0x20: {  	s12 =	simm.s32 $0x4;
	s13 =	rddreg [dreg:$0x6];
	[sflag:s11] =	ssyncadd.s32 $0xFFFF8000  }
0x21: {  	[hbm4b:s13+s2] =	stream.linear.scatter [tilespmem:s7], [sflag:$0x4], $0x8000, $0x38;
	[tilespmem:$0x13400] =	vst v63  }
0x22: {  	_ =	swait.ge [sflag:s12], $0x8000  }
0x23: {  	[sflag:s12] =	ssyncset.done $0x0  }
0x24: {  	s13 =	simm.s32 $0xC00;
	[sflag:s12] =	ssyncadd.s32 $0xFFFF8000  }
0x25: {  	[tilespmem:s7], [sflag:$0x2] =	stream.indirect.gather [hbm4b:s4+s5], $0x20, s13, s5, $0xb8;
	[tilespmem:$0x13400] =	vst v63  }
0x26: {  	_ =	swait.ge [sflag:s8], $0x8000  }
0x27: {  	[sflag:s8] =	ssyncset.done $0x0  }
0x28: {  	s14 =	rddreg [dreg:$0x7];
	[sflag:s8] =	ssyncadd.s32 $0xFFFF8000  }
0x29: {  	[hbm4b:s14+s2] =	stream.linear.scatter [tilespmem:s6], [sflag:$0x3], $0x8000, $0x38;
	[tilespmem:$0x13400] =	vst v63  }
0x2a: {  	_ =	swait.ge [sflag:s9], $0x8000  }
0x2b: {  	[sflag:s9] =	ssyncset.done $0x0  }
0x2c: {  	s14 =	simm.s32 $0x1000;
	[sflag:s9] =	ssyncadd.s32 $0xFFFF8000  }
0x2d: {  	[tilespmem:s6], [sflag:$0x1] =	stream.indirect.gather [hbm4b:s4+s5], $0x20, s14, s5, $0xb8;
	[tilespmem:$0x13400] =	vst v63  }
0x2e: {  	_ =	swait.ge [sflag:s11], $0x8000  }
0x2f: {  	[sflag:s11] =	ssyncset.done $0x0  }
0x30: {  	s15 =	rddreg [dreg:$0x8];
	[sflag:s11] =	ssyncadd.s32 $0xFFFF8000  }
0x31: {  	[hbm4b:s15+s2] =	stream.linear.scatter [tilespmem:s7], [sflag:$0x4], $0x8000, $0x38;
	[tilespmem:$0x13400] =	vst v63  }
0x32: {  	_ =	swait.ge [sflag:s12], $0x8000  }
0x33: {  	[sflag:s12] =	ssyncset.done $0x0  }
0x34: {  	s15 =	simm.s32 $0x1400;
	[sflag:s12] =	ssyncadd.s32 $0xFFFF8000  }
0x35: {  	[tilespmem:s7], [sflag:$0x2] =	stream.indirect.gather [hbm4b:s4+s5], $0x20, s15, s5, $0xb8;
	[tilespmem:$0x13400] =	vst v63  }
0x36: {  	_ =	swait.ge [sflag:s8], $0x8000  }
0x37: {  	[sflag:s8] =	ssyncset.done $0x0  }
0x38: {  	s16 =	rddreg [dreg:$0x9];
	[sflag:s8] =	ssyncadd.s32 $0xFFFF8000  }
0x39: {  	[hbm4b:s16+s2] =	stream.linear.scatter [tilespmem:s6], [sflag:$0x3], $0x8000, $0x38;
	[tilespmem:$0x13400] =	vst v63  }
0x3a: {  	_ =	swait.ge [sflag:s9], $0x8000  }
0x3b: {  	[sflag:s9] =	ssyncset.done $0x0  }
0x3c: {  	s16 =	simm.s32 $0x1800;
	[sflag:s9] =	ssyncadd.s32 $0xFFFF8000  }
0x3d: {  	[tilespmem:s6], [sflag:$0x1] =	stream.indirect.gather [hbm4b:s4+s5], $0x20, s16, s5, $0xb8;
	[tilespmem:$0x13400] =	vst v63  }
0x3e: {  	_ =	swait.ge [sflag:s11], $0x8000  }
0x3f: {  	[sflag:s11] =	ssyncset.done $0x0  }
0x40: {  	s17 =	sadd.s32 $0x5000, s31;
	[sflag:s11] =	ssyncadd.s32 $0xFFFF8000  }
0x41: {  	[hbm4b:s17+s2] =	stream.linear.scatter [tilespmem:s7], [sflag:$0x4], $0x8000, $0x38;
	[tilespmem:$0x13400] =	vst v63  }
0x42: {  	_ =	swait.ge [sflag:s12], $0x8000  }
0x43: {  	[sflag:s12] =	ssyncset.done $0x0  }
0x44: {  	s18 =	simm.s32 $0x1C00;
	[sflag:s12] =	ssyncadd.s32 $0xFFFF8000  }
0x45: {  	[tilespmem:s7], [sflag:$0x2] =	stream.indirect.gather [hbm4b:s4+s5], $0x20, s18, s5, $0xb8;
	[tilespmem:$0x13400] =	vst v63  }
0x46: {  	_ =	swait.ge [sflag:s8], $0x8000  }
0x47: {  	[sflag:s8] =	ssyncset.done $0x0  }
0x48: {  	s19 =	sadd.s32 $0x6000, s31;
	[sflag:s8] =	ssyncadd.s32 $0xFFFF8000  }
0x49: {  	[hbm4b:s19+s2] =	stream.linear.scatter [tilespmem:s6], [sflag:$0x3], $0x8000, $0x38;
	[tilespmem:$0x13400] =	vst v63  }
0x4a: {  	_ =	swait.ge [sflag:s9], $0x8000  }
0x4b: {  	[sflag:s9] =	ssyncset.done $0x0  }
0x4c: {  	s20 =	simm.s32 $0x2000;
	[sflag:s9] =	ssyncadd.s32 $0xFFFF8000  }
0x4d: {  	[tilespmem:s6], [sflag:$0x1] =	stream.indirect.gather [hbm4b:s4+s5], $0x20, s20, s5, $0xb8;
	[tilespmem:$0x13400] =	vst v63  }
0x4e: {  	_ =	swait.ge [sflag:s11], $0x8000  }
0x4f: {  	[sflag:s11] =	ssyncset.done $0x0  }
0x50: {  	s21 =	sadd.s32 $0x7000, s31;
	[sflag:s11] =	ssyncadd.s32 $0xFFFF8000  }
0x51: {  	[hbm4b:s21+s2] =	stream.linear.scatter [tilespmem:s7], [sflag:$0x4], $0x8000, $0x38;
	[tilespmem:$0x13400] =	vst v63  }
0x52: {  	_ =	swait.ge [sflag:s12], $0x8000  }
0x53: {  	[sflag:s12] =	ssyncset.done $0x0  }
0x54: {  	s22 =	simm.s32 $0x2400;
	[sflag:s12] =	ssyncadd.s32 $0xFFFF8000  }
0x55: {  	[tilespmem:s7], [sflag:$0x2] =	stream.indirect.gather [hbm4b:s4+s5], $0x20, s22, s5, $0xb8;
	[tilespmem:$0x13400] =	vst v63  }
0x56: {  	_ =	swait.ge [sflag:s8], $0x8000  }
0x57: {  	[sflag:s8] =	ssyncset.done $0x0  }
0x58: {  	s23 =	sadd.s32 $0x8000, s31;
	[sflag:s8] =	ssyncadd.s32 $0xFFFF8000  }
0x59: {  	[hbm4b:s23+s2] =	stream.linear.scatter [tilespmem:s6], [sflag:$0x3], $0x8000, $0x38;
	[tilespmem:$0x13400] =	vst v63  }
0x5a: {  	_ =	swait.ge [sflag:s9], $0x8000  }
0x5b: {  	[sflag:s9] =	ssyncset.done $0x0  }
0x5c: {  	s24 =	simm.s32 $0x2800;
	[sflag:s9] =	ssyncadd.s32 $0xFFFF8000  }
0x5d: {  	[tilespmem:s6], [sflag:$0x1] =	stream.indirect.gather [hbm4b:s4+s5], $0x20, s24, s5, $0xb8;
	[tilespmem:$0x13400] =	vst v63  }
0x5e: {  	_ =	swait.ge [sflag:s11], $0x8000  }
0x5f: {  	[sflag:s11] =	ssyncset.done $0x0  }
0x60: {  	s25 =	sadd.s32 $0x9000, s31;
	[sflag:s11] =	ssyncadd.s32 $0xFFFF8000  }
0x61: {  	[hbm4b:s25+s2] =	stream.linear.scatter [tilespmem:s7], [sflag:$0x4], $0x8000, $0x38;
	[tilespmem:$0x13400] =	vst v63  }
0x62: {  	_ =	swait.ge [sflag:s12], $0x8000  }
0x63: {  	[sflag:s12] =	ssyncset.done $0x0  }
0x64: {  	s26 =	simm.s32 $0x2C00;
	[sflag:s12] =	ssyncadd.s32 $0xFFFF8000  }
0x65: {  	[tilespmem:s7], [sflag:$0x2] =	stream.indirect.gather [hbm4b:s4+s5], $0x20, s26, s5, $0xb8;
	[tilespmem:$0x13400] =	vst v63  }
0x66: {  	_ =	swait.ge [sflag:s8], $0x8000  }
0x67: {  	[sflag:s8] =	ssyncset.done $0x0  }
0x68: {  	s28 =	sadd.s32 $0xA000, s31;
	[sflag:s8] =	ssyncadd.s32 $0xFFFF8000  }
0x69: {  	[hbm4b:s28+s2] =	stream.linear.scatter [tilespmem:s6], [sflag:$0x3], $0x8000, $0x38;
	[tilespmem:$0x13400] =	vst v63  }
0x6a: {  	_ =	swait.ge [sflag:s9], $0x8000  }
0x6b: {  	[sflag:s9] =	ssyncset.done $0x0  }
0x6c: {  	s29 =	simm.s32 $0x3000;
	[sflag:s9] =	ssyncadd.s32 $0xFFFF8000  }
0x6d: {  	[tilespmem:s6], [sflag:$0x1] =	stream.indirect.gather [hbm4b:s4+s5], $0x20, s29, s5, $0xb8;
	[tilespmem:$0x13400] =	vst v63  }
0x6e: {  	_ =	swait.ge [sflag:s11], $0x8000  }
0x6f: {  	s1 =	ssub.s32 $0x2, s1;
	[sflag:s11] =	ssyncset.done $0x0  }
0x70: {  	s0 =	sshrl.u32 s1, $0x1;
	s30 =	sadd.s32 $0xB000, s31;
	[sflag:s11] =	ssyncadd.s32 $0xFFFF8000  }
0x71: {  	[hbm4b:s30+s2] =	stream.linear.scatter [tilespmem:s7], [sflag:$0x4], $0x8000, $0x38;
	[tilespmem:$0x13400] =	vst v63  }
0x72: {  	s0 =	ssub.s32 s1, s0;
	_ =	swait.ge [sflag:s8], $0x8000  }
0x73: {  	s0 =	smax.u32 s0, $0x1;
	[sflag:s8] =	ssyncset.done $0x0  }
0x74: {  	p0 =	sne.s32 s0, $0x1;
	s31 =	sadd.s32 $0xC000, s31;
	[sflag:s8] =	ssyncadd.s32 $0xFFFF8000  }
0x75: {  	[hbm4b:s31+s2] =	stream.linear.scatter [tilespmem:s6], [sflag:$0x3], $0x8000, $0x38;
	[tilespmem:$0x13400] =	vst v63  }
.Ltmp0:
0x76: {  	_ =	swait.ge [sflag:s12], $0x8000;
	(pc) =	sbr.rel @!p0 .LBB2_2-.Ltmp0, $4  }
0x77: {  	[sflag:s12] =	ssyncset.done $0x0  }
0x78: {  	[sflag:s12] =	ssyncadd.s32 $0xFFFF8000  }
0x79: {  	_ =	swait.ge [sflag:s9], $0x8000  }
0x7a: {  	s1 =	sadd.s32 $0xFFFFFFFF, s0;
	[sflag:s9] =	ssyncset.done $0x0  }
.LBB2_1:
0x7b: {  	s0 =	rddreg [dreg:$0x4];
	[sflag:s9] =	ssyncadd.s32 $0xFFFF8000  }
0x7c: {  	[tilespmem:s2], [sflag:$0x5] =	stream.linear.gather [hbm4b:s0+s2], $0x3400, $0x38;
	[tilespmem:$0x13400] =	vst v63  }
0x7d: {  	_ =	swait.ge [sflag:s3], $0x3400  }
0x7e: {  	[sflag:s3] =	ssyncset.done $0x0  }
0x7f: {  	[sflag:s3] =	ssyncadd.s32 $0xFFFFCC00  }
0x80: {  	[tilespmem:s6], [sflag:$0x1] =	stream.indirect.gather [hbm4b:s4+s5], $0x20, s2, s5, $0xb8;
	[tilespmem:$0x13400] =	vst v63  }
0x81: {  	_ = 	snop  }
0x82: {  	[tilespmem:s7], [sflag:$0x2] =	stream.indirect.gather [hbm4b:s4+s5], $0x20, s5, s5, $0xb8;
	[tilespmem:$0x13400] =	vst v63  }
0x83: {  	_ =	swait.ge [sflag:s8], $0x8000  }
0x84: {  	[sflag:s8] =	ssyncset.done $0x0  }
0x85: {  	s0 =	rddreg [dreg:$0x5];
	[sflag:s8] =	ssyncadd.s32 $0xFFFF8000  }
0x86: {  	[hbm4b:s0+s2] =	stream.linear.scatter [tilespmem:s6], [sflag:$0x3], $0x8000, $0x38;
	[tilespmem:$0x13400] =	vst v63  }
0x87: {  	_ =	swait.ge [sflag:s9], $0x8000  }
0x88: {  	[sflag:s9] =	ssyncset.done $0x0  }
0x89: {  	[sflag:s9] =	ssyncadd.s32 $0xFFFF8000  }
0x8a: {  	[tilespmem:s6], [sflag:$0x1] =	stream.indirect.gather [hbm4b:s4+s5], $0x20, s10, s5, $0xb8;
	[tilespmem:$0x13400] =	vst v63  }
0x8b: {  	_ =	swait.ge [sflag:s11], $0x8000  }
0x8c: {  	[sflag:s11] =	ssyncset.done $0x0  }
0x8d: {  	s0 =	rddreg [dreg:$0x6];
	[sflag:s11] =	ssyncadd.s32 $0xFFFF8000  }
0x8e: {  	[hbm4b:s0+s2] =	stream.linear.scatter [tilespmem:s7], [sflag:$0x4], $0x8000, $0x38;
	[tilespmem:$0x13400] =	vst v63  }
0x8f: {  	_ =	swait.ge [sflag:s12], $0x8000  }
0x90: {  	[sflag:s12] =	ssyncset.done $0x0  }
0x91: {  	[sflag:s12] =	ssyncadd.s32 $0xFFFF8000  }
0x92: {  	[tilespmem:s7], [sflag:$0x2] =	stream.indirect.gather [hbm4b:s4+s5], $0x20, s13, s5, $0xb8;
	[tilespmem:$0x13400] =	vst v63  }
0x93: {  	_ =	swait.ge [sflag:s8], $0x8000  }
0x94: {  	[sflag:s8] =	ssyncset.done $0x0  }
0x95: {  	s0 =	rddreg [dreg:$0x7];
	[sflag:s8] =	ssyncadd.s32 $0xFFFF8000  }
0x96: {  	[hbm4b:s0+s2] =	stream.linear.scatter [tilespmem:s6], [sflag:$0x3], $0x8000, $0x38;
	[tilespmem:$0x13400] =	vst v63  }
0x97: {  	_ =	swait.ge [sflag:s9], $0x8000  }
0x98: {  	[sflag:s9] =	ssyncset.done $0x0  }
0x99: {  	[sflag:s9] =	ssyncadd.s32 $0xFFFF8000  }
0x9a: {  	[tilespmem:s6], [sflag:$0x1] =	stream.indirect.gather [hbm4b:s4+s5], $0x20, s14, s5, $0xb8;
	[tilespmem:$0x13400] =	vst v63  }
0x9b: {  	_ =	swait.ge [sflag:s11], $0x8000  }
0x9c: {  	[sflag:s11] =	ssyncset.done $0x0  }
0x9d: {  	s0 =	rddreg [dreg:$0x8];
	[sflag:s11] =	ssyncadd.s32 $0xFFFF8000  }
0x9e: {  	[hbm4b:s0+s2] =	stream.linear.scatter [tilespmem:s7], [sflag:$0x4], $0x8000, $0x38;
	[tilespmem:$0x13400] =	vst v63  }
0x9f: {  	_ =	swait.ge [sflag:s12], $0x8000  }
0xa0: {  	[sflag:s12] =	ssyncset.done $0x0  }
0xa1: {  	[sflag:s12] =	ssyncadd.s32 $0xFFFF8000  }
0xa2: {  	[tilespmem:s7], [sflag:$0x2] =	stream.indirect.gather [hbm4b:s4+s5], $0x20, s15, s5, $0xb8;
	[tilespmem:$0x13400] =	vst v63  }
0xa3: {  	_ =	swait.ge [sflag:s8], $0x8000  }
0xa4: {  	[sflag:s8] =	ssyncset.done $0x0  }
0xa5: {  	s0 =	rddreg [dreg:$0x9];
	[sflag:s8] =	ssyncadd.s32 $0xFFFF8000  }
0xa6: {  	[hbm4b:s0+s2] =	stream.linear.scatter [tilespmem:s6], [sflag:$0x3], $0x8000, $0x38;
	[tilespmem:$0x13400] =	vst v63  }
0xa7: {  	_ =	swait.ge [sflag:s9], $0x8000  }
0xa8: {  	[sflag:s9] =	ssyncset.done $0x0  }
0xa9: {  	[sflag:s9] =	ssyncadd.s32 $0xFFFF8000  }
0xaa: {  	[tilespmem:s6], [sflag:$0x1] =	stream.indirect.gather [hbm4b:s4+s5], $0x20, s16, s5, $0xb8;
	[tilespmem:$0x13400] =	vst v63  }
0xab: {  	_ =	swait.ge [sflag:s11], $0x8000  }
0xac: {  	[sflag:s11] =	ssyncset.done $0x0  }
0xad: {  	[sflag:s11] =	ssyncadd.s32 $0xFFFF8000  }
0xae: {  	[hbm4b:s17+s2] =	stream.linear.scatter [tilespmem:s7], [sflag:$0x4], $0x8000, $0x38;
	[tilespmem:$0x13400] =	vst v63  }
0xaf: {  	_ =	swait.ge [sflag:s12], $0x8000  }
0xb0: {  	[sflag:s12] =	ssyncset.done $0x0  }
0xb1: {  	[sflag:s12] =	ssyncadd.s32 $0xFFFF8000  }
0xb2: {  	[tilespmem:s7], [sflag:$0x2] =	stream.indirect.gather [hbm4b:s4+s5], $0x20, s18, s5, $0xb8;
	[tilespmem:$0x13400] =	vst v63  }
0xb3: {  	_ =	swait.ge [sflag:s8], $0x8000  }
0xb4: {  	[sflag:s8] =	ssyncset.done $0x0  }
0xb5: {  	[sflag:s8] =	ssyncadd.s32 $0xFFFF8000  }
0xb6: {  	[hbm4b:s19+s2] =	stream.linear.scatter [tilespmem:s6], [sflag:$0x3], $0x8000, $0x38;
	[tilespmem:$0x13400] =	vst v63  }
0xb7: {  	_ =	swait.ge [sflag:s9], $0x8000  }
0xb8: {  	[sflag:s9] =	ssyncset.done $0x0  }
0xb9: {  	[sflag:s9] =	ssyncadd.s32 $0xFFFF8000  }
0xba: {  	[tilespmem:s6], [sflag:$0x1] =	stream.indirect.gather [hbm4b:s4+s5], $0x20, s20, s5, $0xb8;
	[tilespmem:$0x13400] =	vst v63  }
0xbb: {  	_ =	swait.ge [sflag:s11], $0x8000  }
0xbc: {  	[sflag:s11] =	ssyncset.done $0x0  }
0xbd: {  	[sflag:s11] =	ssyncadd.s32 $0xFFFF8000  }
0xbe: {  	[hbm4b:s21+s2] =	stream.linear.scatter [tilespmem:s7], [sflag:$0x4], $0x8000, $0x38;
	[tilespmem:$0x13400] =	vst v63  }
0xbf: {  	_ =	swait.ge [sflag:s12], $0x8000  }
0xc0: {  	[sflag:s12] =	ssyncset.done $0x0  }
0xc1: {  	[sflag:s12] =	ssyncadd.s32 $0xFFFF8000  }
0xc2: {  	[tilespmem:s7], [sflag:$0x2] =	stream.indirect.gather [hbm4b:s4+s5], $0x20, s22, s5, $0xb8;
	[tilespmem:$0x13400] =	vst v63  }
0xc3: {  	_ =	swait.ge [sflag:s8], $0x8000  }
0xc4: {  	[sflag:s8] =	ssyncset.done $0x0  }
0xc5: {  	[sflag:s8] =	ssyncadd.s32 $0xFFFF8000  }
0xc6: {  	[hbm4b:s23+s2] =	stream.linear.scatter [tilespmem:s6], [sflag:$0x3], $0x8000, $0x38;
	[tilespmem:$0x13400] =	vst v63  }
0xc7: {  	_ =	swait.ge [sflag:s9], $0x8000  }
0xc8: {  	[sflag:s9] =	ssyncset.done $0x0  }
0xc9: {  	[sflag:s9] =	ssyncadd.s32 $0xFFFF8000  }
0xca: {  	[tilespmem:s6], [sflag:$0x1] =	stream.indirect.gather [hbm4b:s4+s5], $0x20, s24, s5, $0xb8;
	[tilespmem:$0x13400] =	vst v63  }
0xcb: {  	_ =	swait.ge [sflag:s11], $0x8000  }
0xcc: {  	[sflag:s11] =	ssyncset.done $0x0  }
0xcd: {  	[sflag:s11] =	ssyncadd.s32 $0xFFFF8000  }
0xce: {  	[hbm4b:s25+s2] =	stream.linear.scatter [tilespmem:s7], [sflag:$0x4], $0x8000, $0x38;
	[tilespmem:$0x13400] =	vst v63  }
0xcf: {  	_ =	swait.ge [sflag:s12], $0x8000  }
0xd0: {  	[sflag:s12] =	ssyncset.done $0x0  }
0xd1: {  	[sflag:s12] =	ssyncadd.s32 $0xFFFF8000  }
0xd2: {  	[tilespmem:s7], [sflag:$0x2] =	stream.indirect.gather [hbm4b:s4+s5], $0x20, s26, s5, $0xb8;
	[tilespmem:$0x13400] =	vst v63  }
0xd3: {  	_ =	swait.ge [sflag:s8], $0x8000  }
0xd4: {  	[sflag:s8] =	ssyncset.done $0x0  }
0xd5: {  	[sflag:s8] =	ssyncadd.s32 $0xFFFF8000  }
0xd6: {  	[hbm4b:s28+s2] =	stream.linear.scatter [tilespmem:s6], [sflag:$0x3], $0x8000, $0x38;
	[tilespmem:$0x13400] =	vst v63  }
0xd7: {  	_ =	swait.ge [sflag:s9], $0x8000  }
0xd8: {  	[sflag:s9] =	ssyncset.done $0x0  }
0xd9: {  	[sflag:s9] =	ssyncadd.s32 $0xFFFF8000  }
0xda: {  	[tilespmem:s6], [sflag:$0x1] =	stream.indirect.gather [hbm4b:s4+s5], $0x20, s29, s5, $0xb8;
	[tilespmem:$0x13400] =	vst v63  }
0xdb: {  	_ =	swait.ge [sflag:s11], $0x8000  }
0xdc: {  	[sflag:s11] =	ssyncset.done $0x0  }
0xdd: {  	[sflag:s11] =	ssyncadd.s32 $0xFFFF8000  }
0xde: {  	[hbm4b:s30+s2] =	stream.linear.scatter [tilespmem:s7], [sflag:$0x4], $0x8000, $0x38;
	[tilespmem:$0x13400] =	vst v63  }
0xdf: {  	_ =	swait.ge [sflag:s8], $0x8000  }
0xe0: {  	[sflag:s8] =	ssyncset.done $0x0  }
0xe1: {  	p0 =	sne.s32 s1, $0x1;
	[sflag:s8] =	ssyncadd.s32 $0xFFFF8000  }
0xe2: {  	[hbm4b:s31+s2] =	stream.linear.scatter [tilespmem:s6], [sflag:$0x3], $0x8000, $0x38;
	[tilespmem:$0x13400] =	vst v63  }
.Ltmp1:
0xe3: {  	_ =	swait.ge [sflag:s12], $0x8000;
	(pc) =	sbr.rel @p0 .LBB2_1-.Ltmp1, $4  }
0xe4: {  	[sflag:s12] =	ssyncset.done $0x0  }
0xe5: {  	[sflag:s12] =	ssyncadd.s32 $0xFFFF8000  }
0xe6: {  	_ =	swait.ge [sflag:s9], $0x8000  }
0xe7: {  	s1 =	sadd.s32 $0xFFFFFFFF, s1;
	[sflag:s9] =	ssyncset.done $0x0  }
.LBB2_2:
0xe8: {  	[sflag:s9] =	ssyncadd.s32 $0xFFFF8000  }
0xe9: {  	_ =	sfence.sel $0x180000  }
0xea: {  	[bflag:$0x0] =	sbarrier.arrive $0xFFFF  }
0xeb: {  	_ =	strace $0x90000047  }
0xec: {  	s0 =	stileid.u32;
	[bflag:$0x2] =	sbarrier.arrive $0xFFFF  }
0xed: {  	p0 =	sne.s32 s0, $0x0;
	s0 =	rddreg [dreg:$0x3]  }
0xee: {  	s0 =	sadd.s32 @!p0 $0x100000, s0  }
0xef: {  	[sflag:s0] =	ssyncadd.tile.s32 @!p0 $0x1;
	_ =	shalt  }
.Lfunc_end2:
_tile_overlayer_lowered:
.L_overlay_start_2:
0xf0: {  	(tag) =	ssettag $0x2  }
0xf1: {  	s0 =	rddreg [dreg:$0x0];
	s2 =	stileid.u32  }
0xf2: {  	s1 =	rddreg [dreg:$0x1];
	p0 =	sne.s32 s2, $0x0  }
0xf3: {  	s3 =	rddreg [dreg:$0x2];
	[bflag:$0x3] =	sbarrier.arrive $0xFFFF;
	s2 =	simm.s32 @!p0 $0x1C05  }
0xf4: {  	[timem:s3], [sflag:s2] =	dma.local @!p0 [hbm:s0], s1  }
0xf5: {  	s0 =	simm.s32 @!p0 $0x5  }
0xf6: {  	_ =	swait.ge @!p0 [sflag:s0], s1  }
0xf7: {  	s1 =	ssub.s32 @!p0 $0x0, s1;
	[sflag:s0] =	ssyncset.done @!p0 $0x0  }
0xf8: {  	[sflag:s0] =	ssyncadd.s32 @!p0 s1  }
0xf9: {  	[bflag:$0x3] =	sbarrier.arrive $0xFFFF  }
0xfa: {  	_ =	shalt  }

// kernel: sparse-core-data-format-call.cloned.1.call-start
scs
called_computation_lowered:
.L_overlay_start_0:
0x0: {  	s2 =	sld [smem:$0x3FD9]  }
0x1: {  	s3 =	sld [smem:$0x3FFE];
	_ =	sdelay $0x1  }
0x2: {  	s1 =	srdreg.scid  }
0x3: {  	s0 =	sand.u32 $0x1, s1  }
0x4: {  	s18 =	sshll.u32 s0, $0xA;
	s2 =	sadd.s32 s3, s2  }
0x5: {  	s2 =	sadd.s32 s2, s18  }
0x6: {  	[smem:$0x3FC6] =	sst s2  }
0x7: {  	_ = 	snop  }
0x8: {  	s2 =	sld [smem:$0x3FD0];
	(tm) =	ssettm $0x1  }
0x9: {  	s19 =	sld [smem:$0x3FFB];
	_ =	sdelay $0x3  }
0xa: {  	_ =	strace s19  }
0xb: {  	s3 =	sld [smem:$0x3FFC];
	_ =	sdelay $0x3  }
0xc: {  	_ =	strace s3  }
0xd: {  	s3 =	sld [smem:$0x3FFD];
	_ =	sdelay $0x3  }
0xe: {  	_ =	strace s3  }
0xf: {  	_ =	strace $0x8FFFFFFF  }
0x10: {  	s20 =	sld [smem:$0x3FDB];
	_ =	sdelay $0x1  }
0x11: {  	s4 =	simm.s32 $_scs_section_size  }
0x12: {  	s5 =	simm.s32 $_size__tile_overlayer_lowered;
	s6 =	simm.s32 $_tile_overlayer_lowered  }
0x13: {  	s23 =	simm.s32 $0x1BFF;
	s22 =	sshll.u32 s6, $0x1;
	s3 =	sadd.s32 s4, s20  }
0x14: {  	s7 =	simm.s32 $0x0;
	s21 =	sshll.u32 s5, $0x1;
	s5 =	sadd.s32 s22, s3  }
0x15: {  	[timem:s7], [sflag:s23] =	dma.local [hbm:s5], s21  }
0x16: {  	_ =	swait.ge [sflag:s23], s21  }
0x17: {  	s4 =	ssub.s32 $0x0, s21;
	[sflag:s23] =	ssyncset.done $0x0  }
0x18: {  	[sflag:s23] =	ssyncadd.s32 s4;
	_ =	sdelay $0x1  }
0x19: {  	s24 =	simm.s32 $0x1B8B  }
0x1a: {  	_ =	swait.ge [sflag:s24], $0x1  }
0x1b: {  	[sflag:s24] =	ssyncset.done $0x0  }
0x1c: {  	s26 =	simm.s32 $0x1B8E;
	s25 =	sld [smem:$0x3FFE];
	[sflag:s24] =	ssyncadd.s32 $0xFFFFFFFF  }
0x1d: {  	s27 =	simm.s32 $execute0_lowered;
	[smem:$0x3FD2] =	sst s26  }
0x1e: {  	s5 =	sshll.u32 s27, $0x1;
	_ =	strace $0x80000049;
	[dreg:$0x1] =	wrdreg $0xFFFFFFFF  }
0x1f: {  	s28 =	simm.s32 $_size_execute0_lowered;
	s3 =	sadd.s32 s3, s5;
	[dreg:$0x0] =	wrdreg $0x0  }
0x20: {  	s5 =	sshll.u32 s28, $0x1;
	[dreg:$0x2] =	wrdreg s3  }
0x21: {  	[dreg:$0x3] =	wrdreg s5  }
0x22: {  	[dreg:$0x4] =	wrdreg $0xC0  }
0x23: {  	_ =	task [dreg:s7], $0x5FFFF  }
0x24: {  	[dreg:$0x1] =	wrdreg $0xFFFFFFFF  }
0x25: {  	[dreg:$0x0] =	wrdreg $0x60  }
0x26: {  	[dreg:$0x2] =	wrdreg s25  }
0x27: {  	[dreg:$0x3] =	wrdreg s2  }
0x28: {  	[dreg:$0x4] =	wrdreg $0x9  }
0x29: {  	_ =	task.clear_ibuf [dreg:s7], $0x5FFFF;
	_ =	strace $0x90000049  }
0x2a: {  	s29 =	simm.s32 $0x9;
	_ =	strace $0x8000004B  }
0x2b: {  	_ =	swait.ge [sflag:s29], $0x1  }
0x2c: {  	[sflag:s29] =	ssyncadd.s32 $0xFFFFFFFF  }
0x2d: {  	_ =	strace $0x9000004B  }
0x2e: {  	_ =	sfence  }
0x2f: {  	s30 =	sld [smem:$0x0];
	_ =	sdelay $0x2  }
0x30: {  	s31 =	sshll.u32 s1, $0xD;
	s1 =	sshrl.u32 s1, $0x2  }
0x31: {  	s3 =	sand.u32 $0x4000, s31;
	s1 =	sadd.s32 s1, s30  }
0x32: {  	s0 =	sor.u32 s3, s0;
	s1 =	sshll.u32 s1, $0x11  }
0x33: {  	s0 =	sor.u32 s1, s0  }
0x34: {  	s0 =	sadd.s32 $0x8F2B, s0  }
0x35: {  	[sflag:s0] =	ssyncadd.remote.s32 $0x1  }
0x36: {  	_ =	sfence.sel $0xFFFF  }
0x37: {  	[dreg:$0x0] =	wrdreg $0xFFFFFFFF;
	(pc) =	sbr.abs _section_cstart, $3  }
0x38: {  	[dreg:$0x1] =	wrdreg $0xFFFFFFFF  }
0x39: {  	_ =	task.clear_ibuf [dreg:s7], $0x2FFFF;
	_ =	strace $0x9FFFFFFF  }
0x3a: {  	(tm) =	ssettm $0x7FFFFFFF  }
0x3b: {  	_ =	shalt  }
tec
execute0_lowered:
.L_overlay_start_1:
0x0: {  	(tag) =	ssettag $0x1  }
0x1: {  	s0 =	srdreg.scid  }
0x2: {  	s1 =	sshll.u32 s0, $0x4  }
0x3: {  	s0 =	stileid.u32;
	s1 =	sand.u32 $0x10, s1  }
0x4: {  	s7 =	rddreg [dreg:$0x0];
	s1 =	sor.u32 s0, s1  }
0x5: {  	s4 =	simm.s32 $0x1;
	s8 =	simm.s32 $0x2;
	s2 =	sshll.u32 s1, $0x7  }
0x6: {  	s13 =	simm.s32 $0x0;
	s9 =	simm.s32 $0x20000;
	s1 =	ssub.s32 $0x4000, s2  }
0x7: {  	s14 =	simm.s32 $0x0;
	s11 =	simm.s32 $0x0;
	s3 =	sand.u32 $0xF80, s1  }
0x8: {  	s12 =	simm.s32 $0x0;
	s5 =	sshrl.u32 s1, $0xC;
	p0 =	sne.s32 s3, $0x0  }
.Ltmp0:
0x9: {  	s1 =	rddreg [dreg:$0x2];
	s4 =	simm.s32 @!p0 $0x0;
	(pc) =	sbr.rel .LBB1_1-.Ltmp0, $4  }
0xa: {  	s6 =	sadd.s32 $0x800, s7;
	s3 =	rddreg [dreg:$0x1];
	s5 =	sadd.s32 s4, s5  }
0xb: {  	_ =	strace $0x8000004A;
	s4 =	simm.s32 $0x1;
	s5 =	smul.u32 $0xD, s5  }
0xc: {  	s7 =	sadd.s32 $0x40800, s7;
	s10 =	smov.u32 s2;
	[sflag:s4] =	ssyncpa.u1 $0x0  }
0xd: {  	p0 =	por $0x0, $0x0;
	[sflag:s8] =	ssyncpa.u1 $0x0;
	s8 =	sadd.s32 $0x1, s5  }
.LBB1_7:
0xe: {  	s15 =	sadd.s32 $0x1000, s10  }
0xf: {  	s13 =	sadd.s32 $0x2, s11;
	s17 =	smov.u32 s11;
	p2 =	sgt.s32 s15, $0x3FFF  }
0x10: {  	s17 =	smov.u32 @p2 s13  }
0x11: {  	s15 =	smov.u32 @p2 s2;
	p2 =	sgt.s32 s17, $0x19  }
0x12: {  	s17 =	simm.s32 @p2 $0x0;
	p2 =	sne.s32 s12, s8  }
.Ltmp1:
0x13: {  	p1 =	slt.u32 s12, $0x2;
	(pc) =	sbr.rel @!p2 .LBB1_8-.Ltmp1, $4  }
0x14: {  	s16 =	simm.s32 @!p1 $0x2  }
0x15: {  	s14 =	smov.u32 s11;
	p0 =	por !p0, !p0;
	_ =	swait.ge @!p1 [sflag:s16], $0x2000  }
0x16: {  	s13 =	smov.u32 s10;
	[sflag:s16] =	ssyncset.done @!p1 $0x0;
	s10 =	smov.u32 s15  }
0x17: {  	s12 =	sadd.s32 $0x1, s12;
	[sflag:s16] =	ssyncadd.s32 @!p1 $0xFFFFE000;
	s11 =	smov.u32 s17  }
.LBB1_1:
0x18: {  	p1 =	sge.u32 s12, s5  }
0x19: {  	s15 =	sxor.u32 @!p1 $0xFFFFFFFF, s12;
	s16 =	sshll.u32 @!p1 s11, $0x12  }
0x1a: {  	s17 =	sshll.u32 @!p1 s10, $0x4;
	s19 =	simm.s32 @!p1 $0x20;
	s20 =	simm.s32 @!p1 $0x80  }
0x1b: {  	s15 =	sshll.u32 @!p1 s15, $0xD;
	s17 =	sand.u32 @!p1 $0x3FFF0, s17;
	s18 =	sadd.s32 @!p1 s6, s16  }
0x1c: {  	s16 =	sadd.s32 @!p1 s16, s7;
	s15 =	sand.u32 @!p1 $0x2000, s15;
	s18 =	sadd.s32 @!p1 s17, s18  }
0x1d: {  	[tilespmem:s15], [sflag:$0x1] =	stream.strided.gather @!p1 [hbm4b:s18+s19], $0x1000, s20, s19, $0x38;
	[tilespmem:$0x8080] =	vst v63  }
0x1e: {  	s31 =	sadd.s32 $0xFFFFFFFF, s12;
	s16 =	sadd.s32 @!p1 s17, s16;
	s15 =	sor.u32 @!p1 $0x1000, s15  }
0x1f: {  	[tilespmem:s15], [sflag:$0x1] =	stream.strided.gather @!p1 [hbm4b:s16+s19], $0x1000, s20, s19, $0x38;
	[tilespmem:$0x8080] =	vst v63  }
0x20: {  	p1 =	sge.u32 s31, s5  }
.Ltmp2:
0x21: {  	_ = 	snop;
	(pc) =	sbr.rel @p1 .LBB1_7-.Ltmp2, $1  }
0x22: {  	_ =	sdelay $0x3  }
0x23: {  	s15 =	simm.s32 $0x1;
	s17 =	sand.u32 $0x1, s12  }
0x24: {  	_ =	swait.ge [sflag:s4], $0x2000;
	s15 =	simm.s32 @!p0 $0x0;
	s17 =	smul.u32 $0x8100, s17  }
0x25: {  	p2 =	por $0x1, $0x1;
	[sflag:s4] =	ssyncset.done $0x0;
	s16 =	smul.u32 $0x8100, s15  }
0x26: {  	s18 =	sshll.u32 s15, $0xF;
	[sflag:s4] =	ssyncadd.s32 $0xFFFFE000;
	s30 =	sshrl.u32 s17, $0x2  }
0x27: {  	s31 =	sshrl.u32 s18, $0x2;
	s18 =	simm.s32 $0x0;
	s16 =	sshrl.u32 s16, $0x2  }
0x28: {  	s15 =	sor.u32 $0x4000, s30;
	s17 =	sadd.s32 $0x10, s31;
	s16 =	sor.u32 $0x4000, s16  }
.LBB1_3:
0x29: {  	s19 =	sshll.u32 s18, $0xC  }
0x2a: {  	s19 =	sand.u32 $0x3FFFF000, s19  }
0x2b: {  	s20 =	sadd.s32 s19, s17  }
0x2c: {  	s31 =	smul.u32 $0x4080, s18;
	v1 =	vld [tilespmem:s20+$0x0]  }
0x2d: {  	v0 =	vld [tilespmem:s20+$0xFFFFFFF0]  }
0x2e: {  	s18 =	sshra.s32 s31, $0x2  }
0x2f: {  	s18 =	sadd.s32 s18, s16  }
0x30: {  	s21 =	sadd.s32 $0x0, s18  }
0x31: {  	p1 =	por p2, p2;
	s19 =	simm.s32 $0x4;
	s20 =	sadd.s32 $0x20, s20;
	[tilespmem:s21+$0x810 ss:$0x81] =	vst.msk $0xffff, v1  }
.LBB1_4:
0x32: {  	v1 =	vld [tilespmem:s20+$0x0];
	p2 =	sne.s32 s19, $0x1FC;
	[tilespmem:s21+$0x0 ss:$0x81] =	vst.msk $0xffff, v0;
	s21 =	smov.u32 s19;
	s19 =	sadd.s32 $0x4, s19  }
.Ltmp3:
0x33: {  	v0 =	vld [tilespmem:s20+$0xFFFFFFF0];
	(pc) =	sbr.rel @p2 .LBB1_4-.Ltmp3, $4  }
0x34: {  	_ = 	snop  }
0x35: {  	s21 =	sshra.s32 s21, $0x2  }
0x36: {  	s21 =	sadd.s32 s21, s18  }
0x37: {  	s20 =	sadd.s32 $0x20, s20;
	[tilespmem:s21+$0x810 ss:$0x81] =	vst.msk $0xffff, v1  }
.Ltmp4:
0x38: {  	(pc) =	sbr.rel @p1 .LBB1_3-.Ltmp4, $2  }
0x39: {  	_ =	sdelay $0x2  }
0x3a: {  	[tilespmem:s21+$0x0 ss:$0x81] =	vst.msk $0xffff, v0;
	s18 =	simm.s32 $0x1;
	p2 =	por $0x0, $0x0  }
0x3b: {  	s16 =	sshll.u32 s13, $0x3;
	s17 =	sand.u32 $0x78, s13;
	s14 =	sshll.u32 s14, $0x10  }
.Ltmp5:
0x3c: {  	s30 =	sand.u32 $0xF800, s13;
	s16 =	sand.u32 $0x3C00, s16;
	(pc) =	sbr.rel .LBB1_7-.Ltmp5, $4  }
0x3d: {  	s31 =	sand.u32 $0x7, s13;
	s14 =	sadd.s32 s3, s14;
	s16 =	sor.u32 s17, s16  }
0x3e: {  	s13 =	sshll.u32 s31, $0x12;
	s14 =	sadd.s32 s30, s14;
	s16 =	sshrl.u32 s16, $0x3  }
0x3f: {  	s13 =	sor.u32 $0x400, s13;
	s14 =	sadd.s32 s16, s14  }
0x40: {  	[hbm4b:s14+s13] =	stream.strided.scatter [tilespmem:s15], [sflag:$0x2], $0x2000, s9, s13, $0x20;
	[tilespmem:$0x8080] =	vst v63  }
.LBB1_8:
0x41: {  	_ =	sfence.sel $0x180000  }
0x42: {  	s2 =	simm.s32 $0x1;
	[bflag:$0x0] =	sbarrier.arrive $0xFFFF  }
0x43: {  	s31 =	simm.s32 $0x2;
	[sflag:s2] =	ssyncpa.u1 $0x1  }
0x44: {  	[sflag:s31] =	ssyncpa.u1 $0x1  }
0x45: {  	p0 =	sne.s32 s0, $0x0;
	_ =	strace $0x9000004A  }
0x46: {  	s0 =	sadd.s32 @!p0 $0x100000, s1;
	[bflag:$0x2] =	sbarrier.arrive $0xFFFF  }
0x47: {  	[sflag:s0] =	ssyncadd.tile.s32 @!p0 $0x1;
	_ =	shalt  }
.Lfunc_end1:
_tile_overlayer_lowered:
.L_overlay_start_2:
0x48: {  	(tag) =	ssettag $0x2  }
0x49: {  	s0 =	rddreg [dreg:$0x0];
	s2 =	stileid.u32  }
0x4a: {  	s1 =	rddreg [dreg:$0x1];
	p0 =	sne.s32 s2, $0x0  }
0x4b: {  	s3 =	rddreg [dreg:$0x2];
	[bflag:$0x3] =	sbarrier.arrive $0xFFFF;
	s2 =	simm.s32 @!p0 $0x1C01  }
0x4c: {  	[timem:s3], [sflag:s2] =	dma.local @!p0 [hbm:s0], s1  }
0x4d: {  	s0 =	simm.s32 @!p0 $0x1  }
0x4e: {  	_ =	swait.ge @!p0 [sflag:s0], s1  }
0x4f: {  	s1 =	ssub.s32 @!p0 $0x0, s1;
	[sflag:s0] =	ssyncset.done @!p0 $0x0  }
0x50: {  	[sflag:s0] =	ssyncadd.s32 @!p0 s1  }
0x51: {  	[bflag:$0x3] =	sbarrier.arrive $0xFFFF  }
0x52: {  	_ =	shalt  }

</sc_bundles>
